<compile_context>
chip_gen: v7x
topology: tpu7x:2x2x1
jax: 0.10.2.dev20260603
libtpu: 0.0.44.dev20260713+nightly
codegen_flags: <defaults>
</compile_context>

<pallas_src>
import functools

import numpy as np

import jax
import jax.numpy as jnp
from jax import lax
from jax.experimental import pallas as pl
from jax.experimental.pallas import tpu as pltpu
from jax.experimental.pallas import tpu_sc as plsc

N = 10000
D = 128
DH = D // 2
E = 320000
NC, NS = 2, 16
LANE = 128
CHUNKS = 160
QRT = CHUNKS // 4
EPAD = NS * CHUNKS * LANE
NPAD = 10240
RPS = NPAD // NS
BR = 1024

_ZEROS_N = np.zeros((NPAD,), np.float32)
_ZEROS_NH = np.zeros((NPAD, DH), np.float32)
_ONES_L = np.ones((LANE,), np.float32)
_FILL = np.full((EPAD - E,), N, np.int32)


@functools.lru_cache(maxsize=None)
def _sc_kernels():
    mesh = plsc.VectorSubcoreMesh(
        core_axis_name="c", subcore_axis_name="s", num_cores=NC, num_subcores=NS)

    @functools.partial(
        pl.kernel,
        out_type=jax.ShapeDtypeStruct((NC, NPAD), jnp.float32),
        mesh=mesh,
        scratch_types=[
            pltpu.VMEM((CHUNKS // NC, LANE), jnp.int32),
            pltpu.VMEM((LANE,), jnp.float32),
            pltpu.VMEM_SHARED((NPAD,), jnp.float32),
        ],
    )
    def deg_kernel(dst_hbm, zeros_hbm, ones_hbm, hist_out, idx_v, ones_v, hist_sh):
        c = lax.axis_index("c")
        s = lax.axis_index("s")
        half = CHUNKS // NC
        pltpu.sync_copy(zeros_hbm.at[pl.ds(s * RPS, RPS)],
                        hist_sh.at[pl.ds(s * RPS, RPS)])
        pltpu.sync_copy(ones_hbm, ones_v)
        pltpu.sync_copy(dst_hbm.at[s, pl.ds(c * half, half)], idx_v)
        plsc.subcore_barrier()

        def body(j, carry):
            pltpu.sync_copy(ones_v, hist_sh.at[idx_v.at[j]], add=True)
            return carry

        lax.fori_loop(0, half, body, 0)
        plsc.subcore_barrier()

        @pl.when(s == 0)
        def _():
            pltpu.sync_copy(hist_sh, hist_out.at[c])

    @functools.partial(
        pl.kernel,
        out_type=jax.ShapeDtypeStruct((NC, NPAD, DH), jnp.float32),
        mesh=mesh,
        compiler_params=pltpu.CompilerParams(use_tc_tiling_on_sc=False),
        scratch_types=[
            pltpu.VMEM((QRT, LANE), jnp.int32),
            pltpu.VMEM((QRT, LANE), jnp.int32),
            pltpu.VMEM((LANE, DH), jnp.float32),
            pltpu.VMEM((LANE, DH), jnp.float32),
            pltpu.VMEM_SHARED((NPAD, DH), jnp.float32),
            pltpu.VMEM_SHARED((NPAD, DH), jnp.float32),
            pltpu.SemaphoreType.DMA,
            pltpu.SemaphoreType.DMA,
        ],
    )
    def scatter_kernel(g2_hbm, src_hbm, dst_hbm, zeros_hbm, part_out,
                       src_v, dst_v, buf0, buf1, g_sh, acc_sh, sem0, sem1):
        c = lax.axis_index("c")
        s = lax.axis_index("s")
        rows = pl.ds(s * RPS, RPS)

        pltpu.sync_copy(g2_hbm.at[c].at[rows], g_sh.at[rows])
        pltpu.sync_copy(zeros_hbm.at[rows], acc_sh.at[rows])
        plsc.subcore_barrier()

        bufs = (buf0, buf1)
        sems = (sem0, sem1)
        for q in range(CHUNKS // QRT):
            pltpu.sync_copy(src_hbm.at[s, pl.ds(q * QRT, QRT)], src_v)
            pltpu.sync_copy(dst_hbm.at[s, pl.ds(q * QRT, QRT)], dst_v)
            pltpu.make_async_copy(g_sh.at[src_v.at[0]], bufs[0], sems[0]).start()

            def body(p, carry):
                for k in range(2):
                    j = p * 2 + k

                    @pl.when(j + 1 < QRT)
                    def _():
                        pltpu.make_async_copy(
                            g_sh.at[src_v.at[j + 1]], bufs[1 - k], sems[1 - k]).start()

                    pltpu.make_async_copy(
                        g_sh.at[src_v.at[j]], bufs[k], sems[k]).wait()
                    pltpu.sync_copy(bufs[k], acc_sh.at[dst_v.at[j]], add=True)
                return carry

            lax.fori_loop(0, QRT // 2, body, 0)

        plsc.subcore_barrier()
        pltpu.sync_copy(acc_sh.at[rows], part_out.at[c].at[rows])

    return deg_kernel, scatter_kernel


BRM = 1000


def _mm_body(x_ref, w_ref, hp_ref, g_ref):
    deg = hp_ref[:, 0:1] + hp_ref[:, 1:2] + 1.0
    dinv = lax.rsqrt(deg)
    h = jnp.dot(x_ref[...], w_ref[...], preferred_element_type=jnp.float32)
    t = h * dinv
    g_ref[0] = t[:, :DH]
    g_ref[1] = t[:, DH:]


_mm = pl.pallas_call(
    _mm_body,
    grid=(N // BRM,),
    in_specs=[
        pl.BlockSpec((BRM, D), lambda i: (i, 0)),
        pl.BlockSpec((D, D), lambda i: (0, 0)),
        pl.BlockSpec((BRM, 2), lambda i: (i, 0)),
    ],
    out_specs=pl.BlockSpec((2, BRM, DH), lambda i: (0, i, 0)),
    out_shape=jax.ShapeDtypeStruct((2, NPAD, DH), jnp.float32),
)


def _fin_body(p_ref, g_ref, hp_ref, b_ref, o_ref):
    deg = hp_ref[:, 0:1] + hp_ref[:, 1:2] + 1.0
    dinv = lax.rsqrt(deg)
    t = p_ref[...] + g_ref[...]
    o_ref[...] = dinv * jnp.concatenate([t[0], t[1]], axis=-1) + b_ref[...]


_fin = pl.pallas_call(
    _fin_body,
    grid=(NPAD // BR,),
    in_specs=[
        pl.BlockSpec((NC, BR, DH), lambda i: (0, i, 0)),
        pl.BlockSpec((2, BR, DH), lambda i: (0, i, 0)),
        pl.BlockSpec((BR, 2), lambda i: (i, 0)),
        pl.BlockSpec((1, D), lambda i: (0, 0)),
    ],
    out_specs=pl.BlockSpec((BR, D), lambda i: (i, 0)),
    out_shape=jax.ShapeDtypeStruct((NPAD, D), jnp.float32),
)


def kernel(mpg_ft, edge_index, W, b):
    src = edge_index[0]
    dst = edge_index[1]
    src_p = jnp.concatenate([src, _FILL]).reshape(NS, CHUNKS, LANE)
    dst_p = jnp.concatenate([dst, _FILL]).reshape(NS, CHUNKS, LANE)

    deg_kernel, scatter_kernel = _sc_kernels()
    hist = deg_kernel(dst_p, _ZEROS_N, _ONES_L)
    hist_pair = jnp.transpose(hist)
    g2 = _mm(mpg_ft, W, hist_pair)
    part = scatter_kernel(g2, src_p, dst_p, _ZEROS_NH)
    out = _fin(part, g2, hist_pair, jnp.reshape(b, (1, D)))
    return out[:N]

# --- scband reference (transcript-rebuilt; emitter-appended) ---
"""Pipeline reference for scband-drug-encoder-72335839199973 (READ-ONLY COPY).

The authoritative reference and input builder live on the scoring server;
editing this copy changes nothing except your own understanding.
"""

import jax, jax.numpy as jnp
import numpy as np

N = 10000
E = 320000
D_IN = 128
D_OUT = 128


def setup_inputs(seed: int = 0) -> dict:
    key = jax.random.key(seed)
    k1, k2, k3 = jax.random.split(key, 3)
    mpg_ft = jax.random.normal(k1, (N, D_IN), dtype=jnp.float32)
    edge_index = jax.random.randint(k2, (2, E), 0, N, dtype=jnp.int32)
    W = jax.random.normal(k3, (D_IN, D_OUT), dtype=jnp.float32) * 0.05
    b = jnp.zeros((D_OUT,), dtype=jnp.float32)
    return {"mpg_ft": mpg_ft, "edge_index": edge_index, "W": W, "b": b}


def gcn_conv(x, src, dst, W, b):
    # PyG GCNConv: x' = D^{-1/2} (A + I) D^{-1/2} X W + b
    n = x.shape[0]
    loop = jnp.arange(n, dtype=src.dtype)
    src = jnp.concatenate([src, loop])
    dst = jnp.concatenate([dst, loop])
    deg = jnp.zeros((n,), dtype=x.dtype).at[dst].add(1.0)
    deg_inv_sqrt = jnp.where(deg > 0, 1.0 / jnp.sqrt(deg), 0.0)
    norm = deg_inv_sqrt[src] * deg_inv_sqrt[dst]
    h = x @ W
    msgs = h[src] * norm[:, None]
    out = jnp.zeros((n, h.shape[1]), dtype=h.dtype).at[dst].add(msgs)
    return out + b


def reference(mpg_ft, edge_index, W, b):
    # DrugEncoder.forward with freeze=True and use_conv=True:
    #   x = data.mpg_ft (precomputed MPG features)
    #   x = self.output_conv(x, data.edge_index)  # GCNConv(mpg_dim, output_dim)
    #   return (x, data) -> we return the node embeddings
    src = edge_index[0]
    dst = edge_index[1]
    return gcn_conv(mpg_ft, src, dst, W, b)

if __name__ == "__main__":
    import jax
    _d = setup_inputs()
    print(jax.jit(kernel)(*tuple(_d.values())))

</pallas_src>

<mosaic_0001>
#map = affine_map<(d0, d1) -> (0, 0, 0)>
#map1 = affine_map<(d0, d1) -> (0)>
#map2 = affine_map<(d0, d1) -> (0, 0)>
module attributes {stable_mosaic.version = 14 : i64} {
  func.func @deg_kernel(%arg0: i32, %arg1: i32, %arg2: memref<16x160x128xi32, #tpu.memory_space<hbm>>, %arg3: memref<10240xf32, #tpu.memory_space<hbm>>, %arg4: memref<128xf32, #tpu.memory_space<hbm>>, %arg5: memref<2x10240xf32, #tpu.memory_space<hbm>>, %arg6: memref<80x128xi32, #tpu.memory_space<vmem>>, %arg7: memref<128xf32, #tpu.memory_space<vmem>>, %arg8: memref<10240xf32, #tpu.memory_space<vmem_shared>>) attributes {dimension_semantics = [#tpu.dimension_semantics<core_parallel>, #tpu.dimension_semantics<subcore_parallel>], iteration_bounds = array<i64: 2, 16>, scalar_prefetch = 0 : i64, scratch_operands = 3 : i64, tpu.core_type = #tpu.core_type<sc_vector_subcore>, window_params = [{transform_indices = #map}, {transform_indices = #map1}, {transform_indices = #map1}, {transform_indices = #map2}]} {
    %mul3A = arith.constant 640 : i32
    %mul3A_0 = arith.muli %arg1, %mul3A : i32
    %mul3A_1 = arith.constant 640 : i32
    %mul3A_2 = arith.muli %arg1, %mul3A_1 : i32
    "tpu.region"() ({
      %run_scoped3A = tpu.sem_alloc : memref<!tpu.dma_semaphore, #tpu.memory_space<semaphore_mem>>
      %dma_start3A = tpu.memref_slice %arg8[%mul3A_2] : memref<10240xf32, #tpu.memory_space<vmem_shared>> -> memref<640xf32, #tpu.memory_space<vmem_shared>>
      %dma_start3A_13 = tpu.memref_slice %arg3[%mul3A_0] : memref<10240xf32, #tpu.memory_space<hbm>> -> memref<640xf32, #tpu.memory_space<hbm>>
      tpu.enqueue_dma source(%dma_start3A_13 : memref<640xf32, #tpu.memory_space<hbm>>) target(%dma_start3A : memref<640xf32, #tpu.memory_space<vmem_shared>>) target_semaphore(%run_scoped3A : memref<!tpu.dma_semaphore, #tpu.memory_space<semaphore_mem>>)
      %dma_wait3A = tpu.memref_slice %arg8[%mul3A_2] : memref<10240xf32, #tpu.memory_space<vmem_shared>> -> memref<640xf32, #tpu.memory_space<vmem_shared>>
      %dma_wait3A_14 = tpu.memref_slice %arg3[%mul3A_0] : memref<10240xf32, #tpu.memory_space<hbm>> -> memref<640xf32, #tpu.memory_space<hbm>>
      tpu.wait_dma2 semaphore(%run_scoped3A : memref<!tpu.dma_semaphore, #tpu.memory_space<semaphore_mem>>) src(%dma_wait3A_14 : memref<640xf32, #tpu.memory_space<hbm>>) dst(%dma_wait3A : memref<640xf32, #tpu.memory_space<vmem_shared>>)
      tpu.yield
    }) : () -> ()
    "tpu.region"() ({
      %run_scoped3A = tpu.sem_alloc : memref<!tpu.dma_semaphore, #tpu.memory_space<semaphore_mem>>
      tpu.enqueue_dma source(%arg4 : memref<128xf32, #tpu.memory_space<hbm>>) target(%arg7 : memref<128xf32, #tpu.memory_space<vmem>>) target_semaphore(%run_scoped3A : memref<!tpu.dma_semaphore, #tpu.memory_space<semaphore_mem>>)
      tpu.wait_dma2 semaphore(%run_scoped3A : memref<!tpu.dma_semaphore, #tpu.memory_space<semaphore_mem>>) src(%arg4 : memref<128xf32, #tpu.memory_space<hbm>>) dst(%arg7 : memref<128xf32, #tpu.memory_space<vmem>>)
      tpu.yield
    }) : () -> ()
    %mul3A_3 = arith.constant 80 : i32
    %mul3A_4 = arith.muli %arg0, %mul3A_3 : i32
    "tpu.region"() ({
      %run_scoped3A = tpu.sem_alloc : memref<!tpu.dma_semaphore, #tpu.memory_space<semaphore_mem>>
      %dma_start3A = arith.constant 0 : i32
      %dma_start3A_13 = tpu.memref_slice %arg2[%arg1, %mul3A_4, %dma_start3A] : memref<16x160x128xi32, #tpu.memory_space<hbm>> -> memref<1x80x128xi32, #tpu.memory_space<hbm>>
      %dma_start3A_14 = tpu.memref_squeeze %dma_start3A_13 : memref<1x80x128xi32, #tpu.memory_space<hbm>> -> memref<80x128xi32, #tpu.memory_space<hbm>>
      %dma_start3A_15 = arith.constant 0 : i32
      %dma_start3A_16 = tpu.memref_slice %arg2[%arg1, %mul3A_4, %dma_start3A_15] : memref<16x160x128xi32, #tpu.memory_space<hbm>> -> memref<1x80x128xi32, #tpu.memory_space<hbm>>
      %dma_start3A_17 = tpu.memref_squeeze %dma_start3A_16 : memref<1x80x128xi32, #tpu.memory_space<hbm>> -> memref<80x128xi32, #tpu.memory_space<hbm>>
      tpu.enqueue_dma source(%dma_start3A_17 : memref<80x128xi32, #tpu.memory_space<hbm>>) target(%arg6 : memref<80x128xi32, #tpu.memory_space<vmem>>) target_semaphore(%run_scoped3A : memref<!tpu.dma_semaphore, #tpu.memory_space<semaphore_mem>>)
      %dma_wait3A = arith.constant 0 : i32
      %dma_wait3A_18 = tpu.memref_slice %arg2[%arg1, %mul3A_4, %dma_wait3A] : memref<16x160x128xi32, #tpu.memory_space<hbm>> -> memref<1x80x128xi32, #tpu.memory_space<hbm>>
      %dma_wait3A_19 = tpu.memref_squeeze %dma_wait3A_18 : memref<1x80x128xi32, #tpu.memory_space<hbm>> -> memref<80x128xi32, #tpu.memory_space<hbm>>
      %dma_wait3A_20 = arith.constant 0 : i32
      %dma_wait3A_21 = tpu.memref_slice %arg2[%arg1, %mul3A_4, %dma_wait3A_20] : memref<16x160x128xi32, #tpu.memory_space<hbm>> -> memref<1x80x128xi32, #tpu.memory_space<hbm>>
      %dma_wait3A_22 = tpu.memref_squeeze %dma_wait3A_21 : memref<1x80x128xi32, #tpu.memory_space<hbm>> -> memref<80x128xi32, #tpu.memory_space<hbm>>
      tpu.wait_dma2 semaphore(%run_scoped3A : memref<!tpu.dma_semaphore, #tpu.memory_space<semaphore_mem>>) src(%dma_wait3A_22 : memref<80x128xi32, #tpu.memory_space<hbm>>) dst(%arg6 : memref<80x128xi32, #tpu.memory_space<vmem>>)
      tpu.yield
    }) : () -> ()
    %barrier3A = arith.constant 0 : index
    tpu.barrier barrier_id(%barrier3A)
    %scan3A = arith.constant 0 : i32
    %scan3A_5 = arith.constant 0 : i32
    %scan3A_6 = arith.constant 80 : i32
    %scan3A_7 = arith.addi %scan3A_5, %scan3A_6 : i32
    %scan3A_8 = arith.constant 1 : i32
    scf.for %scan3A_13 = %scan3A_5 to %scan3A_7 step %scan3A_8  : i32 {
      "tpu.region"() ({
        %run_scoped3A = tpu.sem_alloc : memref<!tpu.dma_semaphore, #tpu.memory_space<semaphore_mem>>
        %dma_start3A = arith.constant 0 : i32
        %dma_start3A_14 = tpu.memref_slice %arg6[%scan3A_13, %dma_start3A] : memref<80x128xi32, #tpu.memory_space<vmem>> -> memref<1x128xi32, #tpu.memory_space<vmem>>
        %dma_start3A_15 = tpu.memref_squeeze %dma_start3A_14 : memref<1x128xi32, #tpu.memory_space<vmem>> -> memref<128xi32, #tpu.memory_space<vmem>>
        %dma_start3A_16 = arith.constant 0 : i32
        %dma_start3A_17 = tpu.memref_slice %arg8[%dma_start3A_16] : memref<10240xf32, #tpu.memory_space<vmem_shared>> -> memref<10240xf32, #tpu.memory_space<vmem_shared>>
        tpu.enqueue_indirect_dma source(%arg7 : memref<128xf32, #tpu.memory_space<vmem>>) target(%dma_start3A_17 : memref<10240xf32, #tpu.memory_space<vmem_shared>>) offsets(%dma_start3A_15 : memref<128xi32, #tpu.memory_space<vmem>>) semaphore(%run_scoped3A : memref<!tpu.dma_semaphore, #tpu.memory_space<semaphore_mem>>) {add = true}
        %dma_wait3A = arith.constant 0 : i32
        %dma_wait3A_18 = tpu.memref_slice %arg6[%scan3A_13, %dma_wait3A] : memref<80x128xi32, #tpu.memory_space<vmem>> -> memref<1x128xi32, #tpu.memory_space<vmem>>
        %dma_wait3A_19 = tpu.memref_squeeze %dma_wait3A_18 : memref<1x128xi32, #tpu.memory_space<vmem>> -> memref<128xi32, #tpu.memory_space<vmem>>
        %dma_wait3A_20 = arith.constant 0 : i32
        %dma_wait3A_21 = tpu.memref_slice %arg8[%dma_wait3A_20] : memref<10240xf32, #tpu.memory_space<vmem_shared>> -> memref<10240xf32, #tpu.memory_space<vmem_shared>>
        tpu.wait_indirect_dma semaphore(%run_scoped3A : memref<!tpu.dma_semaphore, #tpu.memory_space<semaphore_mem>>) src(%arg7 : memref<128xf32, #tpu.memory_space<vmem>>) dst(%dma_wait3A_21 : memref<10240xf32, #tpu.memory_space<vmem_shared>>)
        tpu.yield
      }) : () -> ()
    }
    %scan3A_9 = arith.constant 80 : i32
    %barrier3A_10 = arith.constant 0 : index
    tpu.barrier barrier_id(%barrier3A_10)
    %eq3A = arith.constant 0 : i32
    %eq3A_11 = arith.cmpi eq, %arg1, %eq3A : i32
    %convert_element_type3A = arith.extui %eq3A_11 : i1 to i32
    %cond3A = arith.constant 0 : i32
    %cond3A_12 = arith.cmpi ne, %convert_element_type3A, %cond3A : i32
    scf.if %cond3A_12 {
      "tpu.region"() ({
        %run_scoped3A = tpu.sem_alloc : memref<!tpu.dma_semaphore, #tpu.memory_space<semaphore_mem>>
        %dma_start3A = arith.constant 0 : i32
        %dma_start3A_13 = tpu.memref_slice %arg5[%arg0, %dma_start3A] : memref<2x10240xf32, #tpu.memory_space<hbm>> -> memref<1x10240xf32, #tpu.memory_space<hbm>>
        %dma_start3A_14 = tpu.memref_squeeze %dma_start3A_13 : memref<1x10240xf32, #tpu.memory_space<hbm>> -> memref<10240xf32, #tpu.memory_space<hbm>>
        tpu.enqueue_dma source(%arg8 : memref<10240xf32, #tpu.memory_space<vmem_shared>>) target(%dma_start3A_14 : memref<10240xf32, #tpu.memory_space<hbm>>) target_semaphore(%run_scoped3A : memref<!tpu.dma_semaphore, #tpu.memory_space<semaphore_mem>>)
        %dma_wait3A = arith.constant 0 : i32
        %dma_wait3A_15 = tpu.memref_slice %arg5[%arg0, %dma_wait3A] : memref<2x10240xf32, #tpu.memory_space<hbm>> -> memref<1x10240xf32, #tpu.memory_space<hbm>>
        %dma_wait3A_16 = tpu.memref_squeeze %dma_wait3A_15 : memref<1x10240xf32, #tpu.memory_space<hbm>> -> memref<10240xf32, #tpu.memory_space<hbm>>
        tpu.wait_dma2 semaphore(%run_scoped3A : memref<!tpu.dma_semaphore, #tpu.memory_space<semaphore_mem>>) src(%arg8 : memref<10240xf32, #tpu.memory_space<vmem_shared>>) dst(%dma_wait3A_16 : memref<10240xf32, #tpu.memory_space<hbm>>)
        tpu.yield
      }) : () -> ()
    } else {
    }
    return
  }
}

#map = affine_map<(d0, d1) -> (0, 0, 0)>
#map1 = affine_map<(d0, d1) -> (0, 0)>
module attributes {stable_mosaic.version = 14 : i64} {
  func.func @scatter_kernel(%arg0: i32, %arg1: i32, %arg2: memref<2x10240x64xf32, #tpu.memory_space<hbm>>, %arg3: memref<16x160x128xi32, #tpu.memory_space<hbm>>, %arg4: memref<16x160x128xi32, #tpu.memory_space<hbm>>, %arg5: memref<10240x64xf32, #tpu.memory_space<hbm>>, %arg6: memref<2x10240x64xf32, #tpu.memory_space<hbm>>, %arg7: memref<40x128xi32, #tpu.memory_space<vmem>>, %arg8: memref<40x128xi32, #tpu.memory_space<vmem>>, %arg9: memref<128x64xf32, #tpu.memory_space<vmem>>, %arg10: memref<128x64xf32, #tpu.memory_space<vmem>>, %arg11: memref<10240x64xf32, #tpu.memory_space<vmem_shared>>, %arg12: memref<10240x64xf32, #tpu.memory_space<vmem_shared>>, %arg13: memref<!tpu.dma_semaphore, #tpu.memory_space<semaphore_mem>>, %arg14: memref<!tpu.dma_semaphore, #tpu.memory_space<semaphore_mem>>) attributes {dimension_semantics = [#tpu.dimension_semantics<core_parallel>, #tpu.dimension_semantics<subcore_parallel>], iteration_bounds = array<i64: 2, 16>, scalar_prefetch = 0 : i64, scratch_operands = 8 : i64, tpu.core_type = #tpu.core_type<sc_vector_subcore>, window_params = [{transform_indices = #map}, {transform_indices = #map}, {transform_indices = #map}, {transform_indices = #map1}, {transform_indices = #map}]} {
    %mul3A = arith.constant 640 : i32
    %mul3A_0 = arith.muli %arg1, %mul3A : i32
    "tpu.region"() ({
      %run_scoped3A = tpu.sem_alloc : memref<!tpu.dma_semaphore, #tpu.memory_space<semaphore_mem>>
      %dma_start3A_52 = arith.constant 0 : i32
      %dma_start3A_53 = tpu.memref_slice %arg11[%mul3A_0, %dma_start3A_52] : memref<10240x64xf32, #tpu.memory_space<vmem_shared>> -> memref<640x64xf32, #tpu.memory_space<vmem_shared>>
      %dma_start3A_54 = arith.constant 0 : i32
      %dma_start3A_55 = arith.constant 0 : i32
      %dma_start3A_56 = tpu.memref_slice %arg2[%arg0, %dma_start3A_54, %dma_start3A_55] : memref<2x10240x64xf32, #tpu.memory_space<hbm>> -> memref<1x10240x64xf32, #tpu.memory_space<hbm>>
      %dma_start3A_57 = tpu.memref_squeeze %dma_start3A_56 : memref<1x10240x64xf32, #tpu.memory_space<hbm>> -> memref<10240x64xf32, #tpu.memory_space<hbm>>
      %dma_start3A_58 = arith.constant 0 : i32
      %dma_start3A_59 = tpu.memref_slice %dma_start3A_57[%mul3A_0, %dma_start3A_58] : memref<10240x64xf32, #tpu.memory_space<hbm>> -> memref<640x64xf32, #tpu.memory_space<hbm>>
      tpu.enqueue_dma source(%dma_start3A_59 : memref<640x64xf32, #tpu.memory_space<hbm>>) target(%dma_start3A_53 : memref<640x64xf32, #tpu.memory_space<vmem_shared>>) target_semaphore(%run_scoped3A : memref<!tpu.dma_semaphore, #tpu.memory_space<semaphore_mem>>)
      %dma_wait3A = arith.constant 0 : i32
      %dma_wait3A_60 = tpu.memref_slice %arg11[%mul3A_0, %dma_wait3A] : memref<10240x64xf32, #tpu.memory_space<vmem_shared>> -> memref<640x64xf32, #tpu.memory_space<vmem_shared>>
      %dma_wait3A_61 = arith.constant 0 : i32
      %dma_wait3A_62 = arith.constant 0 : i32
      %dma_wait3A_63 = tpu.memref_slice %arg2[%arg0, %dma_wait3A_61, %dma_wait3A_62] : memref<2x10240x64xf32, #tpu.memory_space<hbm>> -> memref<1x10240x64xf32, #tpu.memory_space<hbm>>
      %dma_wait3A_64 = tpu.memref_squeeze %dma_wait3A_63 : memref<1x10240x64xf32, #tpu.memory_space<hbm>> -> memref<10240x64xf32, #tpu.memory_space<hbm>>
      %dma_wait3A_65 = arith.constant 0 : i32
      %dma_wait3A_66 = tpu.memref_slice %dma_wait3A_64[%mul3A_0, %dma_wait3A_65] : memref<10240x64xf32, #tpu.memory_space<hbm>> -> memref<640x64xf32, #tpu.memory_space<hbm>>
      tpu.wait_dma2 semaphore(%run_scoped3A : memref<!tpu.dma_semaphore, #tpu.memory_space<semaphore_mem>>) src(%dma_wait3A_66 : memref<640x64xf32, #tpu.memory_space<hbm>>) dst(%dma_wait3A_60 : memref<640x64xf32, #tpu.memory_space<vmem_shared>>)
      tpu.yield
    }) : () -> ()
    "tpu.region"() ({
      %run_scoped3A = tpu.sem_alloc : memref<!tpu.dma_semaphore, #tpu.memory_space<semaphore_mem>>
      %dma_start3A_52 = arith.constant 0 : i32
      %dma_start3A_53 = tpu.memref_slice %arg12[%mul3A_0, %dma_start3A_52] : memref<10240x64xf32, #tpu.memory_space<vmem_shared>> -> memref<640x64xf32, #tpu.memory_space<vmem_shared>>
      %dma_start3A_54 = arith.constant 0 : i32
      %dma_start3A_55 = tpu.memref_slice %arg5[%mul3A_0, %dma_start3A_54] : memref<10240x64xf32, #tpu.memory_space<hbm>> -> memref<640x64xf32, #tpu.memory_space<hbm>>
      tpu.enqueue_dma source(%dma_start3A_55 : memref<640x64xf32, #tpu.memory_space<hbm>>) target(%dma_start3A_53 : memref<640x64xf32, #tpu.memory_space<vmem_shared>>) target_semaphore(%run_scoped3A : memref<!tpu.dma_semaphore, #tpu.memory_space<semaphore_mem>>)
      %dma_wait3A = arith.constant 0 : i32
      %dma_wait3A_56 = tpu.memref_slice %arg12[%mul3A_0, %dma_wait3A] : memref<10240x64xf32, #tpu.memory_space<vmem_shared>> -> memref<640x64xf32, #tpu.memory_space<vmem_shared>>
      %dma_wait3A_57 = arith.constant 0 : i32
      %dma_wait3A_58 = tpu.memref_slice %arg5[%mul3A_0, %dma_wait3A_57] : memref<10240x64xf32, #tpu.memory_space<hbm>> -> memref<640x64xf32, #tpu.memory_space<hbm>>
      tpu.wait_dma2 semaphore(%run_scoped3A : memref<!tpu.dma_semaphore, #tpu.memory_space<semaphore_mem>>) src(%dma_wait3A_58 : memref<640x64xf32, #tpu.memory_space<hbm>>) dst(%dma_wait3A_56 : memref<640x64xf32, #tpu.memory_space<vmem_shared>>)
      tpu.yield
    }) : () -> ()
    %barrier3A = arith.constant 0 : index
    tpu.barrier barrier_id(%barrier3A)
    "tpu.region"() ({
      %run_scoped3A = tpu.sem_alloc : memref<!tpu.dma_semaphore, #tpu.memory_space<semaphore_mem>>
      %dma_start3A_52 = arith.constant 0 : i32
      %dma_start3A_53 = arith.constant 0 : i32
      %dma_start3A_54 = tpu.memref_slice %arg3[%arg1, %dma_start3A_52, %dma_start3A_53] : memref<16x160x128xi32, #tpu.memory_space<hbm>> -> memref<1x40x128xi32, #tpu.memory_space<hbm>>
      %dma_start3A_55 = tpu.memref_squeeze %dma_start3A_54 : memref<1x40x128xi32, #tpu.memory_space<hbm>> -> memref<40x128xi32, #tpu.memory_space<hbm>>
      %dma_start3A_56 = arith.constant 0 : i32
      %dma_start3A_57 = arith.constant 0 : i32
      %dma_start3A_58 = tpu.memref_slice %arg3[%arg1, %dma_start3A_56, %dma_start3A_57] : memref<16x160x128xi32, #tpu.memory_space<hbm>> -> memref<1x40x128xi32, #tpu.memory_space<hbm>>
      %dma_start3A_59 = tpu.memref_squeeze %dma_start3A_58 : memref<1x40x128xi32, #tpu.memory_space<hbm>> -> memref<40x128xi32, #tpu.memory_space<hbm>>
      tpu.enqueue_dma source(%dma_start3A_59 : memref<40x128xi32, #tpu.memory_space<hbm>>) target(%arg7 : memref<40x128xi32, #tpu.memory_space<vmem>>) target_semaphore(%run_scoped3A : memref<!tpu.dma_semaphore, #tpu.memory_space<semaphore_mem>>)
      %dma_wait3A = arith.constant 0 : i32
      %dma_wait3A_60 = arith.constant 0 : i32
      %dma_wait3A_61 = tpu.memref_slice %arg3[%arg1, %dma_wait3A, %dma_wait3A_60] : memref<16x160x128xi32, #tpu.memory_space<hbm>> -> memref<1x40x128xi32, #tpu.memory_space<hbm>>
      %dma_wait3A_62 = tpu.memref_squeeze %dma_wait3A_61 : memref<1x40x128xi32, #tpu.memory_space<hbm>> -> memref<40x128xi32, #tpu.memory_space<hbm>>
      %dma_wait3A_63 = arith.constant 0 : i32
      %dma_wait3A_64 = arith.constant 0 : i32
      %dma_wait3A_65 = tpu.memref_slice %arg3[%arg1, %dma_wait3A_63, %dma_wait3A_64] : memref<16x160x128xi32, #tpu.memory_space<hbm>> -> memref<1x40x128xi32, #tpu.memory_space<hbm>>
      %dma_wait3A_66 = tpu.memref_squeeze %dma_wait3A_65 : memref<1x40x128xi32, #tpu.memory_space<hbm>> -> memref<40x128xi32, #tpu.memory_space<hbm>>
      tpu.wait_dma2 semaphore(%run_scoped3A : memref<!tpu.dma_semaphore, #tpu.memory_space<semaphore_mem>>) src(%dma_wait3A_66 : memref<40x128xi32, #tpu.memory_space<hbm>>) dst(%arg7 : memref<40x128xi32, #tpu.memory_space<vmem>>)
      tpu.yield
    }) : () -> ()
    "tpu.region"() ({
      %run_scoped3A = tpu.sem_alloc : memref<!tpu.dma_semaphore, #tpu.memory_space<semaphore_mem>>
      %dma_start3A_52 = arith.constant 0 : i32
      %dma_start3A_53 = arith.constant 0 : i32
      %dma_start3A_54 = tpu.memref_slice %arg4[%arg1, %dma_start3A_52, %dma_start3A_53] : memref<16x160x128xi32, #tpu.memory_space<hbm>> -> memref<1x40x128xi32, #tpu.memory_space<hbm>>
      %dma_start3A_55 = tpu.memref_squeeze %dma_start3A_54 : memref<1x40x128xi32, #tpu.memory_space<hbm>> -> memref<40x128xi32, #tpu.memory_space<hbm>>
      %dma_start3A_56 = arith.constant 0 : i32
      %dma_start3A_57 = arith.constant 0 : i32
      %dma_start3A_58 = tpu.memref_slice %arg4[%arg1, %dma_start3A_56, %dma_start3A_57] : memref<16x160x128xi32, #tpu.memory_space<hbm>> -> memref<1x40x128xi32, #tpu.memory_space<hbm>>
      %dma_start3A_59 = tpu.memref_squeeze %dma_start3A_58 : memref<1x40x128xi32, #tpu.memory_space<hbm>> -> memref<40x128xi32, #tpu.memory_space<hbm>>
      tpu.enqueue_dma source(%dma_start3A_59 : memref<40x128xi32, #tpu.memory_space<hbm>>) target(%arg8 : memref<40x128xi32, #tpu.memory_space<vmem>>) target_semaphore(%run_scoped3A : memref<!tpu.dma_semaphore, #tpu.memory_space<semaphore_mem>>)
      %dma_wait3A = arith.constant 0 : i32
      %dma_wait3A_60 = arith.constant 0 : i32
      %dma_wait3A_61 = tpu.memref_slice %arg4[%arg1, %dma_wait3A, %dma_wait3A_60] : memref<16x160x128xi32, #tpu.memory_space<hbm>> -> memref<1x40x128xi32, #tpu.memory_space<hbm>>
      %dma_wait3A_62 = tpu.memref_squeeze %dma_wait3A_61 : memref<1x40x128xi32, #tpu.memory_space<hbm>> -> memref<40x128xi32, #tpu.memory_space<hbm>>
      %dma_wait3A_63 = arith.constant 0 : i32
      %dma_wait3A_64 = arith.constant 0 : i32
      %dma_wait3A_65 = tpu.memref_slice %arg4[%arg1, %dma_wait3A_63, %dma_wait3A_64] : memref<16x160x128xi32, #tpu.memory_space<hbm>> -> memref<1x40x128xi32, #tpu.memory_space<hbm>>
      %dma_wait3A_66 = tpu.memref_squeeze %dma_wait3A_65 : memref<1x40x128xi32, #tpu.memory_space<hbm>> -> memref<40x128xi32, #tpu.memory_space<hbm>>
      tpu.wait_dma2 semaphore(%run_scoped3A : memref<!tpu.dma_semaphore, #tpu.memory_space<semaphore_mem>>) src(%dma_wait3A_66 : memref<40x128xi32, #tpu.memory_space<hbm>>) dst(%arg8 : memref<40x128xi32, #tpu.memory_space<vmem>>)
      tpu.yield
    }) : () -> ()
    %dma_start3A = arith.constant 0 : i32
    %dma_start3A_1 = arith.constant 0 : i32
    %dma_start3A_2 = tpu.memref_slice %arg7[%dma_start3A, %dma_start3A_1] : memref<40x128xi32, #tpu.memory_space<vmem>> -> memref<1x128xi32, #tpu.memory_space<vmem>>
    %dma_start3A_3 = tpu.memref_squeeze %dma_start3A_2 : memref<1x128xi32, #tpu.memory_space<vmem>> -> memref<128xi32, #tpu.memory_space<vmem>>
    %dma_start3A_4 = arith.constant 0 : i32
    %dma_start3A_5 = arith.constant 0 : i32
    %dma_start3A_6 = tpu.memref_slice %arg11[%dma_start3A_4, %dma_start3A_5] : memref<10240x64xf32, #tpu.memory_space<vmem_shared>> -> memref<10240x64xf32, #tpu.memory_space<vmem_shared>>
    tpu.enqueue_indirect_dma source(%dma_start3A_6 : memref<10240x64xf32, #tpu.memory_space<vmem_shared>>) target(%arg9 : memref<128x64xf32, #tpu.memory_space<vmem>>) offsets(%dma_start3A_3 : memref<128xi32, #tpu.memory_space<vmem>>) semaphore(%arg13 : memref<!tpu.dma_semaphore, #tpu.memory_space<semaphore_mem>>)
    %scan3A = arith.constant 0 : i32
    %scan3A_7 = arith.constant 0 : i32
    %scan3A_8 = arith.constant 20 : i32
    %scan3A_9 = arith.addi %scan3A_7, %scan3A_8 : i32
    %scan3A_10 = arith.constant 1 : i32
    scf.for %scan3A_52 = %scan3A_7 to %scan3A_9 step %scan3A_10  : i32 {
      %mul3A_53 = arith.constant 2 : i32
      %mul3A_54 = arith.muli %scan3A_52, %mul3A_53 : i32
      %add3A = arith.constant 0 : i32
      %add3A_55 = arith.addi %mul3A_54, %add3A : i32
      %add3A_56 = arith.constant 1 : i32
      %add3A_57 = arith.addi %add3A_55, %add3A_56 : i32
      %lt3A = arith.constant 40 : i32
      %lt3A_58 = arith.cmpi slt, %add3A_57, %lt3A : i32
      %convert_element_type3A = arith.extui %lt3A_58 : i1 to i32
      %cond3A = arith.constant 0 : i32
      %cond3A_59 = arith.cmpi ne, %convert_element_type3A, %cond3A : i32
      scf.if %cond3A_59 {
        %add3A_82 = arith.constant 1 : i32
        %add3A_83 = arith.addi %add3A_55, %add3A_82 : i32
        %dma_start3A_84 = arith.constant 0 : i32
        %dma_start3A_85 = tpu.memref_slice %arg7[%add3A_83, %dma_start3A_84] : memref<40x128xi32, #tpu.memory_space<vmem>> -> memref<1x128xi32, #tpu.memory_space<vmem>>
        %dma_start3A_86 = tpu.memref_squeeze %dma_start3A_85 : memref<1x128xi32, #tpu.memory_space<vmem>> -> memref<128xi32, #tpu.memory_space<vmem>>
        %dma_start3A_87 = arith.constant 0 : i32
        %dma_start3A_88 = arith.constant 0 : i32
        %dma_start3A_89 = tpu.memref_slice %arg11[%dma_start3A_87, %dma_start3A_88] : memref<10240x64xf32, #tpu.memory_space<vmem_shared>> -> memref<10240x64xf32, #tpu.memory_space<vmem_shared>>
        tpu.enqueue_indirect_dma source(%dma_start3A_89 : memref<10240x64xf32, #tpu.memory_space<vmem_shared>>) target(%arg10 : memref<128x64xf32, #tpu.memory_space<vmem>>) offsets(%dma_start3A_86 : memref<128xi32, #tpu.memory_space<vmem>>) semaphore(%arg14 : memref<!tpu.dma_semaphore, #tpu.memory_space<semaphore_mem>>)
      } else {
      }
      %dma_wait3A = arith.constant 0 : i32
      %dma_wait3A_60 = tpu.memref_slice %arg7[%add3A_55, %dma_wait3A] : memref<40x128xi32, #tpu.memory_space<vmem>> -> memref<1x128xi32, #tpu.memory_space<vmem>>
      %dma_wait3A_61 = tpu.memref_squeeze %dma_wait3A_60 : memref<1x128xi32, #tpu.memory_space<vmem>> -> memref<128xi32, #tpu.memory_space<vmem>>
      %dma_wait3A_62 = arith.constant 0 : i32
      %dma_wait3A_63 = arith.constant 0 : i32
      %dma_wait3A_64 = tpu.memref_slice %arg11[%dma_wait3A_62, %dma_wait3A_63] : memref<10240x64xf32, #tpu.memory_space<vmem_shared>> -> memref<10240x64xf32, #tpu.memory_space<vmem_shared>>
      tpu.wait_indirect_dma semaphore(%arg13 : memref<!tpu.dma_semaphore, #tpu.memory_space<semaphore_mem>>) src(%dma_wait3A_64 : memref<10240x64xf32, #tpu.memory_space<vmem_shared>>) dst(%arg9 : memref<128x64xf32, #tpu.memory_space<vmem>>)
      "tpu.region"() ({
        %run_scoped3A = tpu.sem_alloc : memref<!tpu.dma_semaphore, #tpu.memory_space<semaphore_mem>>
        %dma_start3A_82 = arith.constant 0 : i32
        %dma_start3A_83 = tpu.memref_slice %arg8[%add3A_55, %dma_start3A_82] : memref<40x128xi32, #tpu.memory_space<vmem>> -> memref<1x128xi32, #tpu.memory_space<vmem>>
        %dma_start3A_84 = tpu.memref_squeeze %dma_start3A_83 : memref<1x128xi32, #tpu.memory_space<vmem>> -> memref<128xi32, #tpu.memory_space<vmem>>
        %dma_start3A_85 = arith.constant 0 : i32
        %dma_start3A_86 = arith.constant 0 : i32
        %dma_start3A_87 = tpu.memref_slice %arg12[%dma_start3A_85, %dma_start3A_86] : memref<10240x64xf32, #tpu.memory_space<vmem_shared>> -> memref<10240x64xf32, #tpu.memory_space<vmem_shared>>
        tpu.enqueue_indirect_dma source(%arg9 : memref<128x64xf32, #tpu.memory_space<vmem>>) target(%dma_start3A_87 : memref<10240x64xf32, #tpu.memory_space<vmem_shared>>) offsets(%dma_start3A_84 : memref<128xi32, #tpu.memory_space<vmem>>) semaphore(%run_scoped3A : memref<!tpu.dma_semaphore, #tpu.memory_space<semaphore_mem>>) {add = true}
        %dma_wait3A_88 = arith.constant 0 : i32
        %dma_wait3A_89 = tpu.memref_slice %arg8[%add3A_55, %dma_wait3A_88] : memref<40x128xi32, #tpu.memory_space<vmem>> -> memref<1x128xi32, #tpu.memory_space<vmem>>
        %dma_wait3A_90 = tpu.memref_squeeze %dma_wait3A_89 : memref<1x128xi32, #tpu.memory_space<vmem>> -> memref<128xi32, #tpu.memory_space<vmem>>
        %dma_wait3A_91 = arith.constant 0 : i32
        %dma_wait3A_92 = arith.constant 0 : i32
        %dma_wait3A_93 = tpu.memref_slice %arg12[%dma_wait3A_91, %dma_wait3A_92] : memref<10240x64xf32, #tpu.memory_space<vmem_shared>> -> memref<10240x64xf32, #tpu.memory_space<vmem_shared>>
        tpu.wait_indirect_dma semaphore(%run_scoped3A : memref<!tpu.dma_semaphore, #tpu.memory_space<semaphore_mem>>) src(%arg9 : memref<128x64xf32, #tpu.memory_space<vmem>>) dst(%dma_wait3A_93 : memref<10240x64xf32, #tpu.memory_space<vmem_shared>>)
        tpu.yield
      }) : () -> ()
      %mul3A_65 = arith.constant 2 : i32
      %mul3A_66 = arith.muli %scan3A_52, %mul3A_65 : i32
      %add3A_67 = arith.constant 1 : i32
      %add3A_68 = arith.addi %mul3A_66, %add3A_67 : i32
      %add3A_69 = arith.constant 1 : i32
      %add3A_70 = arith.addi %add3A_68, %add3A_69 : i32
      %lt3A_71 = arith.constant 40 : i32
      %lt3A_72 = arith.cmpi slt, %add3A_70, %lt3A_71 : i32
      %convert_element_type3A_73 = arith.extui %lt3A_72 : i1 to i32
      %cond3A_74 = arith.constant 0 : i32
      %cond3A_75 = arith.cmpi ne, %convert_element_type3A_73, %cond3A_74 : i32
      scf.if %cond3A_75 {
        %add3A_82 = arith.constant 1 : i32
        %add3A_83 = arith.addi %add3A_68, %add3A_82 : i32
        %dma_start3A_84 = arith.constant 0 : i32
        %dma_start3A_85 = tpu.memref_slice %arg7[%add3A_83, %dma_start3A_84] : memref<40x128xi32, #tpu.memory_space<vmem>> -> memref<1x128xi32, #tpu.memory_space<vmem>>
        %dma_start3A_86 = tpu.memref_squeeze %dma_start3A_85 : memref<1x128xi32, #tpu.memory_space<vmem>> -> memref<128xi32, #tpu.memory_space<vmem>>
        %dma_start3A_87 = arith.constant 0 : i32
        %dma_start3A_88 = arith.constant 0 : i32
        %dma_start3A_89 = tpu.memref_slice %arg11[%dma_start3A_87, %dma_start3A_88] : memref<10240x64xf32, #tpu.memory_space<vmem_shared>> -> memref<10240x64xf32, #tpu.memory_space<vmem_shared>>
        tpu.enqueue_indirect_dma source(%dma_start3A_89 : memref<10240x64xf32, #tpu.memory_space<vmem_shared>>) target(%arg9 : memref<128x64xf32, #tpu.memory_space<vmem>>) offsets(%dma_start3A_86 : memref<128xi32, #tpu.memory_space<vmem>>) semaphore(%arg13 : memref<!tpu.dma_semaphore, #tpu.memory_space<semaphore_mem>>)
      } else {
      }
      %dma_wait3A_76 = arith.constant 0 : i32
      %dma_wait3A_77 = tpu.memref_slice %arg7[%add3A_68, %dma_wait3A_76] : memref<40x128xi32, #tpu.memory_space<vmem>> -> memref<1x128xi32, #tpu.memory_space<vmem>>
      %dma_wait3A_78 = tpu.memref_squeeze %dma_wait3A_77 : memref<1x128xi32, #tpu.memory_space<vmem>> -> memref<128xi32, #tpu.memory_space<vmem>>
      %dma_wait3A_79 = arith.constant 0 : i32
      %dma_wait3A_80 = arith.constant 0 : i32
      %dma_wait3A_81 = tpu.memref_slice %arg11[%dma_wait3A_79, %dma_wait3A_80] : memref<10240x64xf32, #tpu.memory_space<vmem_shared>> -> memref<10240x64xf32, #tpu.memory_space<vmem_shared>>
      tpu.wait_indirect_dma semaphore(%arg14 : memref<!tpu.dma_semaphore, #tpu.memory_space<semaphore_mem>>) src(%dma_wait3A_81 : memref<10240x64xf32, #tpu.memory_space<vmem_shared>>) dst(%arg10 : memref<128x64xf32, #tpu.memory_space<vmem>>)
      "tpu.region"() ({
        %run_scoped3A = tpu.sem_alloc : memref<!tpu.dma_semaphore, #tpu.memory_space<semaphore_mem>>
        %dma_start3A_82 = arith.constant 0 : i32
        %dma_start3A_83 = tpu.memref_slice %arg8[%add3A_68, %dma_start3A_82] : memref<40x128xi32, #tpu.memory_space<vmem>> -> memref<1x128xi32, #tpu.memory_space<vmem>>
        %dma_start3A_84 = tpu.memref_squeeze %dma_start3A_83 : memref<1x128xi32, #tpu.memory_space<vmem>> -> memref<128xi32, #tpu.memory_space<vmem>>
        %dma_start3A_85 = arith.constant 0 : i32
        %dma_start3A_86 = arith.constant 0 : i32
        %dma_start3A_87 = tpu.memref_slice %arg12[%dma_start3A_85, %dma_start3A_86] : memref<10240x64xf32, #tpu.memory_space<vmem_shared>> -> memref<10240x64xf32, #tpu.memory_space<vmem_shared>>
        tpu.enqueue_indirect_dma source(%arg10 : memref<128x64xf32, #tpu.memory_space<vmem>>) target(%dma_start3A_87 : memref<10240x64xf32, #tpu.memory_space<vmem_shared>>) offsets(%dma_start3A_84 : memref<128xi32, #tpu.memory_space<vmem>>) semaphore(%run_scoped3A : memref<!tpu.dma_semaphore, #tpu.memory_space<semaphore_mem>>) {add = true}
        %dma_wait3A_88 = arith.constant 0 : i32
        %dma_wait3A_89 = tpu.memref_slice %arg8[%add3A_68, %dma_wait3A_88] : memref<40x128xi32, #tpu.memory_space<vmem>> -> memref<1x128xi32, #tpu.memory_space<vmem>>
        %dma_wait3A_90 = tpu.memref_squeeze %dma_wait3A_89 : memref<1x128xi32, #tpu.memory_space<vmem>> -> memref<128xi32, #tpu.memory_space<vmem>>
        %dma_wait3A_91 = arith.constant 0 : i32
        %dma_wait3A_92 = arith.constant 0 : i32
        %dma_wait3A_93 = tpu.memref_slice %arg12[%dma_wait3A_91, %dma_wait3A_92] : memref<10240x64xf32, #tpu.memory_space<vmem_shared>> -> memref<10240x64xf32, #tpu.memory_space<vmem_shared>>
        tpu.wait_indirect_dma semaphore(%run_scoped3A : memref<!tpu.dma_semaphore, #tpu.memory_space<semaphore_mem>>) src(%arg10 : memref<128x64xf32, #tpu.memory_space<vmem>>) dst(%dma_wait3A_93 : memref<10240x64xf32, #tpu.memory_space<vmem_shared>>)
        tpu.yield
      }) : () -> ()
    }
    %scan3A_11 = arith.constant 20 : i32
    "tpu.region"() ({
      %run_scoped3A = tpu.sem_alloc : memref<!tpu.dma_semaphore, #tpu.memory_space<semaphore_mem>>
      %dma_start3A_52 = arith.constant 40 : i32
      %dma_start3A_53 = arith.constant 0 : i32
      %dma_start3A_54 = tpu.memref_slice %arg3[%arg1, %dma_start3A_52, %dma_start3A_53] : memref<16x160x128xi32, #tpu.memory_space<hbm>> -> memref<1x40x128xi32, #tpu.memory_space<hbm>>
      %dma_start3A_55 = tpu.memref_squeeze %dma_start3A_54 : memref<1x40x128xi32, #tpu.memory_space<hbm>> -> memref<40x128xi32, #tpu.memory_space<hbm>>
      %dma_start3A_56 = arith.constant 40 : i32
      %dma_start3A_57 = arith.constant 0 : i32
      %dma_start3A_58 = tpu.memref_slice %arg3[%arg1, %dma_start3A_56, %dma_start3A_57] : memref<16x160x128xi32, #tpu.memory_space<hbm>> -> memref<1x40x128xi32, #tpu.memory_space<hbm>>
      %dma_start3A_59 = tpu.memref_squeeze %dma_start3A_58 : memref<1x40x128xi32, #tpu.memory_space<hbm>> -> memref<40x128xi32, #tpu.memory_space<hbm>>
      tpu.enqueue_dma source(%dma_start3A_59 : memref<40x128xi32, #tpu.memory_space<hbm>>) target(%arg7 : memref<40x128xi32, #tpu.memory_space<vmem>>) target_semaphore(%run_scoped3A : memref<!tpu.dma_semaphore, #tpu.memory_space<semaphore_mem>>)
      %dma_wait3A = arith.constant 40 : i32
      %dma_wait3A_60 = arith.constant 0 : i32
      %dma_wait3A_61 = tpu.memref_slice %arg3[%arg1, %dma_wait3A, %dma_wait3A_60] : memref<16x160x128xi32, #tpu.memory_space<hbm>> -> memref<1x40x128xi32, #tpu.memory_space<hbm>>
      %dma_wait3A_62 = tpu.memref_squeeze %dma_wait3A_61 : memref<1x40x128xi32, #tpu.memory_space<hbm>> -> memref<40x128xi32, #tpu.memory_space<hbm>>
      %dma_wait3A_63 = arith.constant 40 : i32
      %dma_wait3A_64 = arith.constant 0 : i32
      %dma_wait3A_65 = tpu.memref_slice %arg3[%arg1, %dma_wait3A_63, %dma_wait3A_64] : memref<16x160x128xi32, #tpu.memory_space<hbm>> -> memref<1x40x128xi32, #tpu.memory_space<hbm>>
      %dma_wait3A_66 = tpu.memref_squeeze %dma_wait3A_65 : memref<1x40x128xi32, #tpu.memory_space<hbm>> -> memref<40x128xi32, #tpu.memory_space<hbm>>
      tpu.wait_dma2 semaphore(%run_scoped3A : memref<!tpu.dma_semaphore, #tpu.memory_space<semaphore_mem>>) src(%dma_wait3A_66 : memref<40x128xi32, #tpu.memory_space<hbm>>) dst(%arg7 : memref<40x128xi32, #tpu.memory_space<vmem>>)
      tpu.yield
    }) : () -> ()
    "tpu.region"() ({
      %run_scoped3A = tpu.sem_alloc : memref<!tpu.dma_semaphore, #tpu.memory_space<semaphore_mem>>
      %dma_start3A_52 = arith.constant 40 : i32
      %dma_start3A_53 = arith.constant 0 : i32
      %dma_start3A_54 = tpu.memref_slice %arg4[%arg1, %dma_start3A_52, %dma_start3A_53] : memref<16x160x128xi32, #tpu.memory_space<hbm>> -> memref<1x40x128xi32, #tpu.memory_space<hbm>>
      %dma_start3A_55 = tpu.memref_squeeze %dma_start3A_54 : memref<1x40x128xi32, #tpu.memory_space<hbm>> -> memref<40x128xi32, #tpu.memory_space<hbm>>
      %dma_start3A_56 = arith.constant 40 : i32
      %dma_start3A_57 = arith.constant 0 : i32
      %dma_start3A_58 = tpu.memref_slice %arg4[%arg1, %dma_start3A_56, %dma_start3A_57] : memref<16x160x128xi32, #tpu.memory_space<hbm>> -> memref<1x40x128xi32, #tpu.memory_space<hbm>>
      %dma_start3A_59 = tpu.memref_squeeze %dma_start3A_58 : memref<1x40x128xi32, #tpu.memory_space<hbm>> -> memref<40x128xi32, #tpu.memory_space<hbm>>
      tpu.enqueue_dma source(%dma_start3A_59 : memref<40x128xi32, #tpu.memory_space<hbm>>) target(%arg8 : memref<40x128xi32, #tpu.memory_space<vmem>>) target_semaphore(%run_scoped3A : memref<!tpu.dma_semaphore, #tpu.memory_space<semaphore_mem>>)
      %dma_wait3A = arith.constant 40 : i32
      %dma_wait3A_60 = arith.constant 0 : i32
      %dma_wait3A_61 = tpu.memref_slice %arg4[%arg1, %dma_wait3A, %dma_wait3A_60] : memref<16x160x128xi32, #tpu.memory_space<hbm>> -> memref<1x40x128xi32, #tpu.memory_space<hbm>>
      %dma_wait3A_62 = tpu.memref_squeeze %dma_wait3A_61 : memref<1x40x128xi32, #tpu.memory_space<hbm>> -> memref<40x128xi32, #tpu.memory_space<hbm>>
      %dma_wait3A_63 = arith.constant 40 : i32
      %dma_wait3A_64 = arith.constant 0 : i32
      %dma_wait3A_65 = tpu.memref_slice %arg4[%arg1, %dma_wait3A_63, %dma_wait3A_64] : memref<16x160x128xi32, #tpu.memory_space<hbm>> -> memref<1x40x128xi32, #tpu.memory_space<hbm>>
      %dma_wait3A_66 = tpu.memref_squeeze %dma_wait3A_65 : memref<1x40x128xi32, #tpu.memory_space<hbm>> -> memref<40x128xi32, #tpu.memory_space<hbm>>
      tpu.wait_dma2 semaphore(%run_scoped3A : memref<!tpu.dma_semaphore, #tpu.memory_space<semaphore_mem>>) src(%dma_wait3A_66 : memref<40x128xi32, #tpu.memory_space<hbm>>) dst(%arg8 : memref<40x128xi32, #tpu.memory_space<vmem>>)
      tpu.yield
    }) : () -> ()
    %dma_start3A_12 = arith.constant 0 : i32
    %dma_start3A_13 = arith.constant 0 : i32
    %dma_start3A_14 = tpu.memref_slice %arg7[%dma_start3A_12, %dma_start3A_13] : memref<40x128xi32, #tpu.memory_space<vmem>> -> memref<1x128xi32, #tpu.memory_space<vmem>>
    %dma_start3A_15 = tpu.memref_squeeze %dma_start3A_14 : memref<1x128xi32, #tpu.memory_space<vmem>> -> memref<128xi32, #tpu.memory_space<vmem>>
    %dma_start3A_16 = arith.constant 0 : i32
    %dma_start3A_17 = arith.constant 0 : i32
    %dma_start3A_18 = tpu.memref_slice %arg11[%dma_start3A_16, %dma_start3A_17] : memref<10240x64xf32, #tpu.memory_space<vmem_shared>> -> memref<10240x64xf32, #tpu.memory_space<vmem_shared>>
    tpu.enqueue_indirect_dma source(%dma_start3A_18 : memref<10240x64xf32, #tpu.memory_space<vmem_shared>>) target(%arg9 : memref<128x64xf32, #tpu.memory_space<vmem>>) offsets(%dma_start3A_15 : memref<128xi32, #tpu.memory_space<vmem>>) semaphore(%arg13 : memref<!tpu.dma_semaphore, #tpu.memory_space<semaphore_mem>>)
    %scan3A_19 = arith.constant 0 : i32
    %scan3A_20 = arith.constant 0 : i32
    %scan3A_21 = arith.constant 20 : i32
    %scan3A_22 = arith.addi %scan3A_20, %scan3A_21 : i32
    %scan3A_23 = arith.constant 1 : i32
    scf.for %scan3A_52 = %scan3A_20 to %scan3A_22 step %scan3A_23  : i32 {
      %mul3A_53 = arith.constant 2 : i32
      %mul3A_54 = arith.muli %scan3A_52, %mul3A_53 : i32
      %add3A = arith.constant 0 : i32
      %add3A_55 = arith.addi %mul3A_54, %add3A : i32
      %add3A_56 = arith.constant 1 : i32
      %add3A_57 = arith.addi %add3A_55, %add3A_56 : i32
      %lt3A = arith.constant 40 : i32
      %lt3A_58 = arith.cmpi slt, %add3A_57, %lt3A : i32
      %convert_element_type3A = arith.extui %lt3A_58 : i1 to i32
      %cond3A = arith.constant 0 : i32
      %cond3A_59 = arith.cmpi ne, %convert_element_type3A, %cond3A : i32
      scf.if %cond3A_59 {
        %add3A_82 = arith.constant 1 : i32
        %add3A_83 = arith.addi %add3A_55, %add3A_82 : i32
        %dma_start3A_84 = arith.constant 0 : i32
        %dma_start3A_85 = tpu.memref_slice %arg7[%add3A_83, %dma_start3A_84] : memref<40x128xi32, #tpu.memory_space<vmem>> -> memref<1x128xi32, #tpu.memory_space<vmem>>
        %dma_start3A_86 = tpu.memref_squeeze %dma_start3A_85 : memref<1x128xi32, #tpu.memory_space<vmem>> -> memref<128xi32, #tpu.memory_space<vmem>>
        %dma_start3A_87 = arith.constant 0 : i32
        %dma_start3A_88 = arith.constant 0 : i32
        %dma_start3A_89 = tpu.memref_slice %arg11[%dma_start3A_87, %dma_start3A_88] : memref<10240x64xf32, #tpu.memory_space<vmem_shared>> -> memref<10240x64xf32, #tpu.memory_space<vmem_shared>>
        tpu.enqueue_indirect_dma source(%dma_start3A_89 : memref<10240x64xf32, #tpu.memory_space<vmem_shared>>) target(%arg10 : memref<128x64xf32, #tpu.memory_space<vmem>>) offsets(%dma_start3A_86 : memref<128xi32, #tpu.memory_space<vmem>>) semaphore(%arg14 : memref<!tpu.dma_semaphore, #tpu.memory_space<semaphore_mem>>)
      } else {
      }
      %dma_wait3A = arith.constant 0 : i32
      %dma_wait3A_60 = tpu.memref_slice %arg7[%add3A_55, %dma_wait3A] : memref<40x128xi32, #tpu.memory_space<vmem>> -> memref<1x128xi32, #tpu.memory_space<vmem>>
      %dma_wait3A_61 = tpu.memref_squeeze %dma_wait3A_60 : memref<1x128xi32, #tpu.memory_space<vmem>> -> memref<128xi32, #tpu.memory_space<vmem>>
      %dma_wait3A_62 = arith.constant 0 : i32
      %dma_wait3A_63 = arith.constant 0 : i32
      %dma_wait3A_64 = tpu.memref_slice %arg11[%dma_wait3A_62, %dma_wait3A_63] : memref<10240x64xf32, #tpu.memory_space<vmem_shared>> -> memref<10240x64xf32, #tpu.memory_space<vmem_shared>>
      tpu.wait_indirect_dma semaphore(%arg13 : memref<!tpu.dma_semaphore, #tpu.memory_space<semaphore_mem>>) src(%dma_wait3A_64 : memref<10240x64xf32, #tpu.memory_space<vmem_shared>>) dst(%arg9 : memref<128x64xf32, #tpu.memory_space<vmem>>)
      "tpu.region"() ({
        %run_scoped3A = tpu.sem_alloc : memref<!tpu.dma_semaphore, #tpu.memory_space<semaphore_mem>>
        %dma_start3A_82 = arith.constant 0 : i32
        %dma_start3A_83 = tpu.memref_slice %arg8[%add3A_55, %dma_start3A_82] : memref<40x128xi32, #tpu.memory_space<vmem>> -> memref<1x128xi32, #tpu.memory_space<vmem>>
        %dma_start3A_84 = tpu.memref_squeeze %dma_start3A_83 : memref<1x128xi32, #tpu.memory_space<vmem>> -> memref<128xi32, #tpu.memory_space<vmem>>
        %dma_start3A_85 = arith.constant 0 : i32
        %dma_start3A_86 = arith.constant 0 : i32
        %dma_start3A_87 = tpu.memref_slice %arg12[%dma_start3A_85, %dma_start3A_86] : memref<10240x64xf32, #tpu.memory_space<vmem_shared>> -> memref<10240x64xf32, #tpu.memory_space<vmem_shared>>
        tpu.enqueue_indirect_dma source(%arg9 : memref<128x64xf32, #tpu.memory_space<vmem>>) target(%dma_start3A_87 : memref<10240x64xf32, #tpu.memory_space<vmem_shared>>) offsets(%dma_start3A_84 : memref<128xi32, #tpu.memory_space<vmem>>) semaphore(%run_scoped3A : memref<!tpu.dma_semaphore, #tpu.memory_space<semaphore_mem>>) {add = true}
        %dma_wait3A_88 = arith.constant 0 : i32
        %dma_wait3A_89 = tpu.memref_slice %arg8[%add3A_55, %dma_wait3A_88] : memref<40x128xi32, #tpu.memory_space<vmem>> -> memref<1x128xi32, #tpu.memory_space<vmem>>
        %dma_wait3A_90 = tpu.memref_squeeze %dma_wait3A_89 : memref<1x128xi32, #tpu.memory_space<vmem>> -> memref<128xi32, #tpu.memory_space<vmem>>
        %dma_wait3A_91 = arith.constant 0 : i32
        %dma_wait3A_92 = arith.constant 0 : i32
        %dma_wait3A_93 = tpu.memref_slice %arg12[%dma_wait3A_91, %dma_wait3A_92] : memref<10240x64xf32, #tpu.memory_space<vmem_shared>> -> memref<10240x64xf32, #tpu.memory_space<vmem_shared>>
        tpu.wait_indirect_dma semaphore(%run_scoped3A : memref<!tpu.dma_semaphore, #tpu.memory_space<semaphore_mem>>) src(%arg9 : memref<128x64xf32, #tpu.memory_space<vmem>>) dst(%dma_wait3A_93 : memref<10240x64xf32, #tpu.memory_space<vmem_shared>>)
        tpu.yield
      }) : () -> ()
      %mul3A_65 = arith.constant 2 : i32
      %mul3A_66 = arith.muli %scan3A_52, %mul3A_65 : i32
      %add3A_67 = arith.constant 1 : i32
      %add3A_68 = arith.addi %mul3A_66, %add3A_67 : i32
      %add3A_69 = arith.constant 1 : i32
      %add3A_70 = arith.addi %add3A_68, %add3A_69 : i32
      %lt3A_71 = arith.constant 40 : i32
      %lt3A_72 = arith.cmpi slt, %add3A_70, %lt3A_71 : i32
      %convert_element_type3A_73 = arith.extui %lt3A_72 : i1 to i32
      %cond3A_74 = arith.constant 0 : i32
      %cond3A_75 = arith.cmpi ne, %convert_element_type3A_73, %cond3A_74 : i32
      scf.if %cond3A_75 {
        %add3A_82 = arith.constant 1 : i32
        %add3A_83 = arith.addi %add3A_68, %add3A_82 : i32
        %dma_start3A_84 = arith.constant 0 : i32
        %dma_start3A_85 = tpu.memref_slice %arg7[%add3A_83, %dma_start3A_84] : memref<40x128xi32, #tpu.memory_space<vmem>> -> memref<1x128xi32, #tpu.memory_space<vmem>>
        %dma_start3A_86 = tpu.memref_squeeze %dma_start3A_85 : memref<1x128xi32, #tpu.memory_space<vmem>> -> memref<128xi32, #tpu.memory_space<vmem>>
        %dma_start3A_87 = arith.constant 0 : i32
        %dma_start3A_88 = arith.constant 0 : i32
        %dma_start3A_89 = tpu.memref_slice %arg11[%dma_start3A_87, %dma_start3A_88] : memref<10240x64xf32, #tpu.memory_space<vmem_shared>> -> memref<10240x64xf32, #tpu.memory_space<vmem_shared>>
        tpu.enqueue_indirect_dma source(%dma_start3A_89 : memref<10240x64xf32, #tpu.memory_space<vmem_shared>>) target(%arg9 : memref<128x64xf32, #tpu.memory_space<vmem>>) offsets(%dma_start3A_86 : memref<128xi32, #tpu.memory_space<vmem>>) semaphore(%arg13 : memref<!tpu.dma_semaphore, #tpu.memory_space<semaphore_mem>>)
      } else {
      }
      %dma_wait3A_76 = arith.constant 0 : i32
      %dma_wait3A_77 = tpu.memref_slice %arg7[%add3A_68, %dma_wait3A_76] : memref<40x128xi32, #tpu.memory_space<vmem>> -> memref<1x128xi32, #tpu.memory_space<vmem>>
      %dma_wait3A_78 = tpu.memref_squeeze %dma_wait3A_77 : memref<1x128xi32, #tpu.memory_space<vmem>> -> memref<128xi32, #tpu.memory_space<vmem>>
      %dma_wait3A_79 = arith.constant 0 : i32
      %dma_wait3A_80 = arith.constant 0 : i32
      %dma_wait3A_81 = tpu.memref_slice %arg11[%dma_wait3A_79, %dma_wait3A_80] : memref<10240x64xf32, #tpu.memory_space<vmem_shared>> -> memref<10240x64xf32, #tpu.memory_space<vmem_shared>>
      tpu.wait_indirect_dma semaphore(%arg14 : memref<!tpu.dma_semaphore, #tpu.memory_space<semaphore_mem>>) src(%dma_wait3A_81 : memref<10240x64xf32, #tpu.memory_space<vmem_shared>>) dst(%arg10 : memref<128x64xf32, #tpu.memory_space<vmem>>)
      "tpu.region"() ({
        %run_scoped3A = tpu.sem_alloc : memref<!tpu.dma_semaphore, #tpu.memory_space<semaphore_mem>>
        %dma_start3A_82 = arith.constant 0 : i32
        %dma_start3A_83 = tpu.memref_slice %arg8[%add3A_68, %dma_start3A_82] : memref<40x128xi32, #tpu.memory_space<vmem>> -> memref<1x128xi32, #tpu.memory_space<vmem>>
        %dma_start3A_84 = tpu.memref_squeeze %dma_start3A_83 : memref<1x128xi32, #tpu.memory_space<vmem>> -> memref<128xi32, #tpu.memory_space<vmem>>
        %dma_start3A_85 = arith.constant 0 : i32
        %dma_start3A_86 = arith.constant 0 : i32
        %dma_start3A_87 = tpu.memref_slice %arg12[%dma_start3A_85, %dma_start3A_86] : memref<10240x64xf32, #tpu.memory_space<vmem_shared>> -> memref<10240x64xf32, #tpu.memory_space<vmem_shared>>
        tpu.enqueue_indirect_dma source(%arg10 : memref<128x64xf32, #tpu.memory_space<vmem>>) target(%dma_start3A_87 : memref<10240x64xf32, #tpu.memory_space<vmem_shared>>) offsets(%dma_start3A_84 : memref<128xi32, #tpu.memory_space<vmem>>) semaphore(%run_scoped3A : memref<!tpu.dma_semaphore, #tpu.memory_space<semaphore_mem>>) {add = true}
        %dma_wait3A_88 = arith.constant 0 : i32
        %dma_wait3A_89 = tpu.memref_slice %arg8[%add3A_68, %dma_wait3A_88] : memref<40x128xi32, #tpu.memory_space<vmem>> -> memref<1x128xi32, #tpu.memory_space<vmem>>
        %dma_wait3A_90 = tpu.memref_squeeze %dma_wait3A_89 : memref<1x128xi32, #tpu.memory_space<vmem>> -> memref<128xi32, #tpu.memory_space<vmem>>
        %dma_wait3A_91 = arith.constant 0 : i32
        %dma_wait3A_92 = arith.constant 0 : i32
        %dma_wait3A_93 = tpu.memref_slice %arg12[%dma_wait3A_91, %dma_wait3A_92] : memref<10240x64xf32, #tpu.memory_space<vmem_shared>> -> memref<10240x64xf32, #tpu.memory_space<vmem_shared>>
        tpu.wait_indirect_dma semaphore(%run_scoped3A : memref<!tpu.dma_semaphore, #tpu.memory_space<semaphore_mem>>) src(%arg10 : memref<128x64xf32, #tpu.memory_space<vmem>>) dst(%dma_wait3A_93 : memref<10240x64xf32, #tpu.memory_space<vmem_shared>>)
        tpu.yield
      }) : () -> ()
    }
    %scan3A_24 = arith.constant 20 : i32
    "tpu.region"() ({
      %run_scoped3A = tpu.sem_alloc : memref<!tpu.dma_semaphore, #tpu.memory_space<semaphore_mem>>
      %dma_start3A_52 = arith.constant 80 : i32
      %dma_start3A_53 = arith.constant 0 : i32
      %dma_start3A_54 = tpu.memref_slice %arg3[%arg1, %dma_start3A_52, %dma_start3A_53] : memref<16x160x128xi32, #tpu.memory_space<hbm>> -> memref<1x40x128xi32, #tpu.memory_space<hbm>>
      %dma_start3A_55 = tpu.memref_squeeze %dma_start3A_54 : memref<1x40x128xi32, #tpu.memory_space<hbm>> -> memref<40x128xi32, #tpu.memory_space<hbm>>
      %dma_start3A_56 = arith.constant 80 : i32
      %dma_start3A_57 = arith.constant 0 : i32
      %dma_start3A_58 = tpu.memref_slice %arg3[%arg1, %dma_start3A_56, %dma_start3A_57] : memref<16x160x128xi32, #tpu.memory_space<hbm>> -> memref<1x40x128xi32, #tpu.memory_space<hbm>>
      %dma_start3A_59 = tpu.memref_squeeze %dma_start3A_58 : memref<1x40x128xi32, #tpu.memory_space<hbm>> -> memref<40x128xi32, #tpu.memory_space<hbm>>
      tpu.enqueue_dma source(%dma_start3A_59 : memref<40x128xi32, #tpu.memory_space<hbm>>) target(%arg7 : memref<40x128xi32, #tpu.memory_space<vmem>>) target_semaphore(%run_scoped3A : memref<!tpu.dma_semaphore, #tpu.memory_space<semaphore_mem>>)
      %dma_wait3A = arith.constant 80 : i32
      %dma_wait3A_60 = arith.constant 0 : i32
      %dma_wait3A_61 = tpu.memref_slice %arg3[%arg1, %dma_wait3A, %dma_wait3A_60] : memref<16x160x128xi32, #tpu.memory_space<hbm>> -> memref<1x40x128xi32, #tpu.memory_space<hbm>>
      %dma_wait3A_62 = tpu.memref_squeeze %dma_wait3A_61 : memref<1x40x128xi32, #tpu.memory_space<hbm>> -> memref<40x128xi32, #tpu.memory_space<hbm>>
      %dma_wait3A_63 = arith.constant 80 : i32
      %dma_wait3A_64 = arith.constant 0 : i32
      %dma_wait3A_65 = tpu.memref_slice %arg3[%arg1, %dma_wait3A_63, %dma_wait3A_64] : memref<16x160x128xi32, #tpu.memory_space<hbm>> -> memref<1x40x128xi32, #tpu.memory_space<hbm>>
      %dma_wait3A_66 = tpu.memref_squeeze %dma_wait3A_65 : memref<1x40x128xi32, #tpu.memory_space<hbm>> -> memref<40x128xi32, #tpu.memory_space<hbm>>
      tpu.wait_dma2 semaphore(%run_scoped3A : memref<!tpu.dma_semaphore, #tpu.memory_space<semaphore_mem>>) src(%dma_wait3A_66 : memref<40x128xi32, #tpu.memory_space<hbm>>) dst(%arg7 : memref<40x128xi32, #tpu.memory_space<vmem>>)
      tpu.yield
    }) : () -> ()
    "tpu.region"() ({
      %run_scoped3A = tpu.sem_alloc : memref<!tpu.dma_semaphore, #tpu.memory_space<semaphore_mem>>
      %dma_start3A_52 = arith.constant 80 : i32
      %dma_start3A_53 = arith.constant 0 : i32
      %dma_start3A_54 = tpu.memref_slice %arg4[%arg1, %dma_start3A_52, %dma_start3A_53] : memref<16x160x128xi32, #tpu.memory_space<hbm>> -> memref<1x40x128xi32, #tpu.memory_space<hbm>>
      %dma_start3A_55 = tpu.memref_squeeze %dma_start3A_54 : memref<1x40x128xi32, #tpu.memory_space<hbm>> -> memref<40x128xi32, #tpu.memory_space<hbm>>
      %dma_start3A_56 = arith.constant 80 : i32
      %dma_start3A_57 = arith.constant 0 : i32
      %dma_start3A_58 = tpu.memref_slice %arg4[%arg1, %dma_start3A_56, %dma_start3A_57] : memref<16x160x128xi32, #tpu.memory_space<hbm>> -> memref<1x40x128xi32, #tpu.memory_space<hbm>>
      %dma_start3A_59 = tpu.memref_squeeze %dma_start3A_58 : memref<1x40x128xi32, #tpu.memory_space<hbm>> -> memref<40x128xi32, #tpu.memory_space<hbm>>
      tpu.enqueue_dma source(%dma_start3A_59 : memref<40x128xi32, #tpu.memory_space<hbm>>) target(%arg8 : memref<40x128xi32, #tpu.memory_space<vmem>>) target_semaphore(%run_scoped3A : memref<!tpu.dma_semaphore, #tpu.memory_space<semaphore_mem>>)
      %dma_wait3A = arith.constant 80 : i32
      %dma_wait3A_60 = arith.constant 0 : i32
      %dma_wait3A_61 = tpu.memref_slice %arg4[%arg1, %dma_wait3A, %dma_wait3A_60] : memref<16x160x128xi32, #tpu.memory_space<hbm>> -> memref<1x40x128xi32, #tpu.memory_space<hbm>>
      %dma_wait3A_62 = tpu.memref_squeeze %dma_wait3A_61 : memref<1x40x128xi32, #tpu.memory_space<hbm>> -> memref<40x128xi32, #tpu.memory_space<hbm>>
      %dma_wait3A_63 = arith.constant 80 : i32
      %dma_wait3A_64 = arith.constant 0 : i32
      %dma_wait3A_65 = tpu.memref_slice %arg4[%arg1, %dma_wait3A_63, %dma_wait3A_64] : memref<16x160x128xi32, #tpu.memory_space<hbm>> -> memref<1x40x128xi32, #tpu.memory_space<hbm>>
      %dma_wait3A_66 = tpu.memref_squeeze %dma_wait3A_65 : memref<1x40x128xi32, #tpu.memory_space<hbm>> -> memref<40x128xi32, #tpu.memory_space<hbm>>
      tpu.wait_dma2 semaphore(%run_scoped3A : memref<!tpu.dma_semaphore, #tpu.memory_space<semaphore_mem>>) src(%dma_wait3A_66 : memref<40x128xi32, #tpu.memory_space<hbm>>) dst(%arg8 : memref<40x128xi32, #tpu.memory_space<vmem>>)
      tpu.yield
    }) : () -> ()
    %dma_start3A_25 = arith.constant 0 : i32
    %dma_start3A_26 = arith.constant 0 : i32
    %dma_start3A_27 = tpu.memref_slice %arg7[%dma_start3A_25, %dma_start3A_26] : memref<40x128xi32, #tpu.memory_space<vmem>> -> memref<1x128xi32, #tpu.memory_space<vmem>>
    %dma_start3A_28 = tpu.memref_squeeze %dma_start3A_27 : memref<1x128xi32, #tpu.memory_space<vmem>> -> memref<128xi32, #tpu.memory_space<vmem>>
    %dma_start3A_29 = arith.constant 0 : i32
    %dma_start3A_30 = arith.constant 0 : i32
    %dma_start3A_31 = tpu.memref_slice %arg11[%dma_start3A_29, %dma_start3A_30] : memref<10240x64xf32, #tpu.memory_space<vmem_shared>> -> memref<10240x64xf32, #tpu.memory_space<vmem_shared>>
    tpu.enqueue_indirect_dma source(%dma_start3A_31 : memref<10240x64xf32, #tpu.memory_space<vmem_shared>>) target(%arg9 : memref<128x64xf32, #tpu.memory_space<vmem>>) offsets(%dma_start3A_28 : memref<128xi32, #tpu.memory_space<vmem>>) semaphore(%arg13 : memref<!tpu.dma_semaphore, #tpu.memory_space<semaphore_mem>>)
    %scan3A_32 = arith.constant 0 : i32
    %scan3A_33 = arith.constant 0 : i32
    %scan3A_34 = arith.constant 20 : i32
    %scan3A_35 = arith.addi %scan3A_33, %scan3A_34 : i32
    %scan3A_36 = arith.constant 1 : i32
    scf.for %scan3A_52 = %scan3A_33 to %scan3A_35 step %scan3A_36  : i32 {
      %mul3A_53 = arith.constant 2 : i32
      %mul3A_54 = arith.muli %scan3A_52, %mul3A_53 : i32
      %add3A = arith.constant 0 : i32
      %add3A_55 = arith.addi %mul3A_54, %add3A : i32
      %add3A_56 = arith.constant 1 : i32
      %add3A_57 = arith.addi %add3A_55, %add3A_56 : i32
      %lt3A = arith.constant 40 : i32
      %lt3A_58 = arith.cmpi slt, %add3A_57, %lt3A : i32
      %convert_element_type3A = arith.extui %lt3A_58 : i1 to i32
      %cond3A = arith.constant 0 : i32
      %cond3A_59 = arith.cmpi ne, %convert_element_type3A, %cond3A : i32
      scf.if %cond3A_59 {
        %add3A_82 = arith.constant 1 : i32
        %add3A_83 = arith.addi %add3A_55, %add3A_82 : i32
        %dma_start3A_84 = arith.constant 0 : i32
        %dma_start3A_85 = tpu.memref_slice %arg7[%add3A_83, %dma_start3A_84] : memref<40x128xi32, #tpu.memory_space<vmem>> -> memref<1x128xi32, #tpu.memory_space<vmem>>
        %dma_start3A_86 = tpu.memref_squeeze %dma_start3A_85 : memref<1x128xi32, #tpu.memory_space<vmem>> -> memref<128xi32, #tpu.memory_space<vmem>>
        %dma_start3A_87 = arith.constant 0 : i32
        %dma_start3A_88 = arith.constant 0 : i32
        %dma_start3A_89 = tpu.memref_slice %arg11[%dma_start3A_87, %dma_start3A_88] : memref<10240x64xf32, #tpu.memory_space<vmem_shared>> -> memref<10240x64xf32, #tpu.memory_space<vmem_shared>>
        tpu.enqueue_indirect_dma source(%dma_start3A_89 : memref<10240x64xf32, #tpu.memory_space<vmem_shared>>) target(%arg10 : memref<128x64xf32, #tpu.memory_space<vmem>>) offsets(%dma_start3A_86 : memref<128xi32, #tpu.memory_space<vmem>>) semaphore(%arg14 : memref<!tpu.dma_semaphore, #tpu.memory_space<semaphore_mem>>)
      } else {
      }
      %dma_wait3A = arith.constant 0 : i32
      %dma_wait3A_60 = tpu.memref_slice %arg7[%add3A_55, %dma_wait3A] : memref<40x128xi32, #tpu.memory_space<vmem>> -> memref<1x128xi32, #tpu.memory_space<vmem>>
      %dma_wait3A_61 = tpu.memref_squeeze %dma_wait3A_60 : memref<1x128xi32, #tpu.memory_space<vmem>> -> memref<128xi32, #tpu.memory_space<vmem>>
      %dma_wait3A_62 = arith.constant 0 : i32
      %dma_wait3A_63 = arith.constant 0 : i32
      %dma_wait3A_64 = tpu.memref_slice %arg11[%dma_wait3A_62, %dma_wait3A_63] : memref<10240x64xf32, #tpu.memory_space<vmem_shared>> -> memref<10240x64xf32, #tpu.memory_space<vmem_shared>>
      tpu.wait_indirect_dma semaphore(%arg13 : memref<!tpu.dma_semaphore, #tpu.memory_space<semaphore_mem>>) src(%dma_wait3A_64 : memref<10240x64xf32, #tpu.memory_space<vmem_shared>>) dst(%arg9 : memref<128x64xf32, #tpu.memory_space<vmem>>)
      "tpu.region"() ({
        %run_scoped3A = tpu.sem_alloc : memref<!tpu.dma_semaphore, #tpu.memory_space<semaphore_mem>>
        %dma_start3A_82 = arith.constant 0 : i32
        %dma_start3A_83 = tpu.memref_slice %arg8[%add3A_55, %dma_start3A_82] : memref<40x128xi32, #tpu.memory_space<vmem>> -> memref<1x128xi32, #tpu.memory_space<vmem>>
        %dma_start3A_84 = tpu.memref_squeeze %dma_start3A_83 : memref<1x128xi32, #tpu.memory_space<vmem>> -> memref<128xi32, #tpu.memory_space<vmem>>
        %dma_start3A_85 = arith.constant 0 : i32
        %dma_start3A_86 = arith.constant 0 : i32
        %dma_start3A_87 = tpu.memref_slice %arg12[%dma_start3A_85, %dma_start3A_86] : memref<10240x64xf32, #tpu.memory_space<vmem_shared>> -> memref<10240x64xf32, #tpu.memory_space<vmem_shared>>
        tpu.enqueue_indirect_dma source(%arg9 : memref<128x64xf32, #tpu.memory_space<vmem>>) target(%dma_start3A_87 : memref<10240x64xf32, #tpu.memory_space<vmem_shared>>) offsets(%dma_start3A_84 : memref<128xi32, #tpu.memory_space<vmem>>) semaphore(%run_scoped3A : memref<!tpu.dma_semaphore, #tpu.memory_space<semaphore_mem>>) {add = true}
        %dma_wait3A_88 = arith.constant 0 : i32
        %dma_wait3A_89 = tpu.memref_slice %arg8[%add3A_55, %dma_wait3A_88] : memref<40x128xi32, #tpu.memory_space<vmem>> -> memref<1x128xi32, #tpu.memory_space<vmem>>
        %dma_wait3A_90 = tpu.memref_squeeze %dma_wait3A_89 : memref<1x128xi32, #tpu.memory_space<vmem>> -> memref<128xi32, #tpu.memory_space<vmem>>
        %dma_wait3A_91 = arith.constant 0 : i32
        %dma_wait3A_92 = arith.constant 0 : i32
        %dma_wait3A_93 = tpu.memref_slice %arg12[%dma_wait3A_91, %dma_wait3A_92] : memref<10240x64xf32, #tpu.memory_space<vmem_shared>> -> memref<10240x64xf32, #tpu.memory_space<vmem_shared>>
        tpu.wait_indirect_dma semaphore(%run_scoped3A : memref<!tpu.dma_semaphore, #tpu.memory_space<semaphore_mem>>) src(%arg9 : memref<128x64xf32, #tpu.memory_space<vmem>>) dst(%dma_wait3A_93 : memref<10240x64xf32, #tpu.memory_space<vmem_shared>>)
        tpu.yield
      }) : () -> ()
      %mul3A_65 = arith.constant 2 : i32
      %mul3A_66 = arith.muli %scan3A_52, %mul3A_65 : i32
      %add3A_67 = arith.constant 1 : i32
      %add3A_68 = arith.addi %mul3A_66, %add3A_67 : i32
      %add3A_69 = arith.constant 1 : i32
      %add3A_70 = arith.addi %add3A_68, %add3A_69 : i32
      %lt3A_71 = arith.constant 40 : i32
      %lt3A_72 = arith.cmpi slt, %add3A_70, %lt3A_71 : i32
      %convert_element_type3A_73 = arith.extui %lt3A_72 : i1 to i32
      %cond3A_74 = arith.constant 0 : i32
      %cond3A_75 = arith.cmpi ne, %convert_element_type3A_73, %cond3A_74 : i32
      scf.if %cond3A_75 {
        %add3A_82 = arith.constant 1 : i32
        %add3A_83 = arith.addi %add3A_68, %add3A_82 : i32
        %dma_start3A_84 = arith.constant 0 : i32
        %dma_start3A_85 = tpu.memref_slice %arg7[%add3A_83, %dma_start3A_84] : memref<40x128xi32, #tpu.memory_space<vmem>> -> memref<1x128xi32, #tpu.memory_space<vmem>>
        %dma_start3A_86 = tpu.memref_squeeze %dma_start3A_85 : memref<1x128xi32, #tpu.memory_space<vmem>> -> memref<128xi32, #tpu.memory_space<vmem>>
        %dma_start3A_87 = arith.constant 0 : i32
        %dma_start3A_88 = arith.constant 0 : i32
        %dma_start3A_89 = tpu.memref_slice %arg11[%dma_start3A_87, %dma_start3A_88] : memref<10240x64xf32, #tpu.memory_space<vmem_shared>> -> memref<10240x64xf32, #tpu.memory_space<vmem_shared>>
        tpu.enqueue_indirect_dma source(%dma_start3A_89 : memref<10240x64xf32, #tpu.memory_space<vmem_shared>>) target(%arg9 : memref<128x64xf32, #tpu.memory_space<vmem>>) offsets(%dma_start3A_86 : memref<128xi32, #tpu.memory_space<vmem>>) semaphore(%arg13 : memref<!tpu.dma_semaphore, #tpu.memory_space<semaphore_mem>>)
      } else {
      }
      %dma_wait3A_76 = arith.constant 0 : i32
      %dma_wait3A_77 = tpu.memref_slice %arg7[%add3A_68, %dma_wait3A_76] : memref<40x128xi32, #tpu.memory_space<vmem>> -> memref<1x128xi32, #tpu.memory_space<vmem>>
      %dma_wait3A_78 = tpu.memref_squeeze %dma_wait3A_77 : memref<1x128xi32, #tpu.memory_space<vmem>> -> memref<128xi32, #tpu.memory_space<vmem>>
      %dma_wait3A_79 = arith.constant 0 : i32
      %dma_wait3A_80 = arith.constant 0 : i32
      %dma_wait3A_81 = tpu.memref_slice %arg11[%dma_wait3A_79, %dma_wait3A_80] : memref<10240x64xf32, #tpu.memory_space<vmem_shared>> -> memref<10240x64xf32, #tpu.memory_space<vmem_shared>>
      tpu.wait_indirect_dma semaphore(%arg14 : memref<!tpu.dma_semaphore, #tpu.memory_space<semaphore_mem>>) src(%dma_wait3A_81 : memref<10240x64xf32, #tpu.memory_space<vmem_shared>>) dst(%arg10 : memref<128x64xf32, #tpu.memory_space<vmem>>)
      "tpu.region"() ({
        %run_scoped3A = tpu.sem_alloc : memref<!tpu.dma_semaphore, #tpu.memory_space<semaphore_mem>>
        %dma_start3A_82 = arith.constant 0 : i32
        %dma_start3A_83 = tpu.memref_slice %arg8[%add3A_68, %dma_start3A_82] : memref<40x128xi32, #tpu.memory_space<vmem>> -> memref<1x128xi32, #tpu.memory_space<vmem>>
        %dma_start3A_84 = tpu.memref_squeeze %dma_start3A_83 : memref<1x128xi32, #tpu.memory_space<vmem>> -> memref<128xi32, #tpu.memory_space<vmem>>
        %dma_start3A_85 = arith.constant 0 : i32
        %dma_start3A_86 = arith.constant 0 : i32
        %dma_start3A_87 = tpu.memref_slice %arg12[%dma_start3A_85, %dma_start3A_86] : memref<10240x64xf32, #tpu.memory_space<vmem_shared>> -> memref<10240x64xf32, #tpu.memory_space<vmem_shared>>
        tpu.enqueue_indirect_dma source(%arg10 : memref<128x64xf32, #tpu.memory_space<vmem>>) target(%dma_start3A_87 : memref<10240x64xf32, #tpu.memory_space<vmem_shared>>) offsets(%dma_start3A_84 : memref<128xi32, #tpu.memory_space<vmem>>) semaphore(%run_scoped3A : memref<!tpu.dma_semaphore, #tpu.memory_space<semaphore_mem>>) {add = true}
        %dma_wait3A_88 = arith.constant 0 : i32
        %dma_wait3A_89 = tpu.memref_slice %arg8[%add3A_68, %dma_wait3A_88] : memref<40x128xi32, #tpu.memory_space<vmem>> -> memref<1x128xi32, #tpu.memory_space<vmem>>
        %dma_wait3A_90 = tpu.memref_squeeze %dma_wait3A_89 : memref<1x128xi32, #tpu.memory_space<vmem>> -> memref<128xi32, #tpu.memory_space<vmem>>
        %dma_wait3A_91 = arith.constant 0 : i32
        %dma_wait3A_92 = arith.constant 0 : i32
        %dma_wait3A_93 = tpu.memref_slice %arg12[%dma_wait3A_91, %dma_wait3A_92] : memref<10240x64xf32, #tpu.memory_space<vmem_shared>> -> memref<10240x64xf32, #tpu.memory_space<vmem_shared>>
        tpu.wait_indirect_dma semaphore(%run_scoped3A : memref<!tpu.dma_semaphore, #tpu.memory_space<semaphore_mem>>) src(%arg10 : memref<128x64xf32, #tpu.memory_space<vmem>>) dst(%dma_wait3A_93 : memref<10240x64xf32, #tpu.memory_space<vmem_shared>>)
        tpu.yield
      }) : () -> ()
    }
    %scan3A_37 = arith.constant 20 : i32
    "tpu.region"() ({
      %run_scoped3A = tpu.sem_alloc : memref<!tpu.dma_semaphore, #tpu.memory_space<semaphore_mem>>
      %dma_start3A_52 = arith.constant 120 : i32
      %dma_start3A_53 = arith.constant 0 : i32
      %dma_start3A_54 = tpu.memref_slice %arg3[%arg1, %dma_start3A_52, %dma_start3A_53] : memref<16x160x128xi32, #tpu.memory_space<hbm>> -> memref<1x40x128xi32, #tpu.memory_space<hbm>>
      %dma_start3A_55 = tpu.memref_squeeze %dma_start3A_54 : memref<1x40x128xi32, #tpu.memory_space<hbm>> -> memref<40x128xi32, #tpu.memory_space<hbm>>
      %dma_start3A_56 = arith.constant 120 : i32
      %dma_start3A_57 = arith.constant 0 : i32
      %dma_start3A_58 = tpu.memref_slice %arg3[%arg1, %dma_start3A_56, %dma_start3A_57] : memref<16x160x128xi32, #tpu.memory_space<hbm>> -> memref<1x40x128xi32, #tpu.memory_space<hbm>>
      %dma_start3A_59 = tpu.memref_squeeze %dma_start3A_58 : memref<1x40x128xi32, #tpu.memory_space<hbm>> -> memref<40x128xi32, #tpu.memory_space<hbm>>
      tpu.enqueue_dma source(%dma_start3A_59 : memref<40x128xi32, #tpu.memory_space<hbm>>) target(%arg7 : memref<40x128xi32, #tpu.memory_space<vmem>>) target_semaphore(%run_scoped3A : memref<!tpu.dma_semaphore, #tpu.memory_space<semaphore_mem>>)
      %dma_wait3A = arith.constant 120 : i32
      %dma_wait3A_60 = arith.constant 0 : i32
      %dma_wait3A_61 = tpu.memref_slice %arg3[%arg1, %dma_wait3A, %dma_wait3A_60] : memref<16x160x128xi32, #tpu.memory_space<hbm>> -> memref<1x40x128xi32, #tpu.memory_space<hbm>>
      %dma_wait3A_62 = tpu.memref_squeeze %dma_wait3A_61 : memref<1x40x128xi32, #tpu.memory_space<hbm>> -> memref<40x128xi32, #tpu.memory_space<hbm>>
      %dma_wait3A_63 = arith.constant 120 : i32
      %dma_wait3A_64 = arith.constant 0 : i32
      %dma_wait3A_65 = tpu.memref_slice %arg3[%arg1, %dma_wait3A_63, %dma_wait3A_64] : memref<16x160x128xi32, #tpu.memory_space<hbm>> -> memref<1x40x128xi32, #tpu.memory_space<hbm>>
      %dma_wait3A_66 = tpu.memref_squeeze %dma_wait3A_65 : memref<1x40x128xi32, #tpu.memory_space<hbm>> -> memref<40x128xi32, #tpu.memory_space<hbm>>
      tpu.wait_dma2 semaphore(%run_scoped3A : memref<!tpu.dma_semaphore, #tpu.memory_space<semaphore_mem>>) src(%dma_wait3A_66 : memref<40x128xi32, #tpu.memory_space<hbm>>) dst(%arg7 : memref<40x128xi32, #tpu.memory_space<vmem>>)
      tpu.yield
    }) : () -> ()
    "tpu.region"() ({
      %run_scoped3A = tpu.sem_alloc : memref<!tpu.dma_semaphore, #tpu.memory_space<semaphore_mem>>
      %dma_start3A_52 = arith.constant 120 : i32
      %dma_start3A_53 = arith.constant 0 : i32
      %dma_start3A_54 = tpu.memref_slice %arg4[%arg1, %dma_start3A_52, %dma_start3A_53] : memref<16x160x128xi32, #tpu.memory_space<hbm>> -> memref<1x40x128xi32, #tpu.memory_space<hbm>>
      %dma_start3A_55 = tpu.memref_squeeze %dma_start3A_54 : memref<1x40x128xi32, #tpu.memory_space<hbm>> -> memref<40x128xi32, #tpu.memory_space<hbm>>
      %dma_start3A_56 = arith.constant 120 : i32
      %dma_start3A_57 = arith.constant 0 : i32
      %dma_start3A_58 = tpu.memref_slice %arg4[%arg1, %dma_start3A_56, %dma_start3A_57] : memref<16x160x128xi32, #tpu.memory_space<hbm>> -> memref<1x40x128xi32, #tpu.memory_space<hbm>>
      %dma_start3A_59 = tpu.memref_squeeze %dma_start3A_58 : memref<1x40x128xi32, #tpu.memory_space<hbm>> -> memref<40x128xi32, #tpu.memory_space<hbm>>
      tpu.enqueue_dma source(%dma_start3A_59 : memref<40x128xi32, #tpu.memory_space<hbm>>) target(%arg8 : memref<40x128xi32, #tpu.memory_space<vmem>>) target_semaphore(%run_scoped3A : memref<!tpu.dma_semaphore, #tpu.memory_space<semaphore_mem>>)
      %dma_wait3A = arith.constant 120 : i32
      %dma_wait3A_60 = arith.constant 0 : i32
      %dma_wait3A_61 = tpu.memref_slice %arg4[%arg1, %dma_wait3A, %dma_wait3A_60] : memref<16x160x128xi32, #tpu.memory_space<hbm>> -> memref<1x40x128xi32, #tpu.memory_space<hbm>>
      %dma_wait3A_62 = tpu.memref_squeeze %dma_wait3A_61 : memref<1x40x128xi32, #tpu.memory_space<hbm>> -> memref<40x128xi32, #tpu.memory_space<hbm>>
      %dma_wait3A_63 = arith.constant 120 : i32
      %dma_wait3A_64 = arith.constant 0 : i32
      %dma_wait3A_65 = tpu.memref_slice %arg4[%arg1, %dma_wait3A_63, %dma_wait3A_64] : memref<16x160x128xi32, #tpu.memory_space<hbm>> -> memref<1x40x128xi32, #tpu.memory_space<hbm>>
      %dma_wait3A_66 = tpu.memref_squeeze %dma_wait3A_65 : memref<1x40x128xi32, #tpu.memory_space<hbm>> -> memref<40x128xi32, #tpu.memory_space<hbm>>
      tpu.wait_dma2 semaphore(%run_scoped3A : memref<!tpu.dma_semaphore, #tpu.memory_space<semaphore_mem>>) src(%dma_wait3A_66 : memref<40x128xi32, #tpu.memory_space<hbm>>) dst(%arg8 : memref<40x128xi32, #tpu.memory_space<vmem>>)
      tpu.yield
    }) : () -> ()
    %dma_start3A_38 = arith.constant 0 : i32
    %dma_start3A_39 = arith.constant 0 : i32
    %dma_start3A_40 = tpu.memref_slice %arg7[%dma_start3A_38, %dma_start3A_39] : memref<40x128xi32, #tpu.memory_space<vmem>> -> memref<1x128xi32, #tpu.memory_space<vmem>>
    %dma_start3A_41 = tpu.memref_squeeze %dma_start3A_40 : memref<1x128xi32, #tpu.memory_space<vmem>> -> memref<128xi32, #tpu.memory_space<vmem>>
    %dma_start3A_42 = arith.constant 0 : i32
    %dma_start3A_43 = arith.constant 0 : i32
    %dma_start3A_44 = tpu.memref_slice %arg11[%dma_start3A_42, %dma_start3A_43] : memref<10240x64xf32, #tpu.memory_space<vmem_shared>> -> memref<10240x64xf32, #tpu.memory_space<vmem_shared>>
    tpu.enqueue_indirect_dma source(%dma_start3A_44 : memref<10240x64xf32, #tpu.memory_space<vmem_shared>>) target(%arg9 : memref<128x64xf32, #tpu.memory_space<vmem>>) offsets(%dma_start3A_41 : memref<128xi32, #tpu.memory_space<vmem>>) semaphore(%arg13 : memref<!tpu.dma_semaphore, #tpu.memory_space<semaphore_mem>>)
    %scan3A_45 = arith.constant 0 : i32
    %scan3A_46 = arith.constant 0 : i32
    %scan3A_47 = arith.constant 20 : i32
    %scan3A_48 = arith.addi %scan3A_46, %scan3A_47 : i32
    %scan3A_49 = arith.constant 1 : i32
    scf.for %scan3A_52 = %scan3A_46 to %scan3A_48 step %scan3A_49  : i32 {
      %mul3A_53 = arith.constant 2 : i32
      %mul3A_54 = arith.muli %scan3A_52, %mul3A_53 : i32
      %add3A = arith.constant 0 : i32
      %add3A_55 = arith.addi %mul3A_54, %add3A : i32
      %add3A_56 = arith.constant 1 : i32
      %add3A_57 = arith.addi %add3A_55, %add3A_56 : i32
      %lt3A = arith.constant 40 : i32
      %lt3A_58 = arith.cmpi slt, %add3A_57, %lt3A : i32
      %convert_element_type3A = arith.extui %lt3A_58 : i1 to i32
      %cond3A = arith.constant 0 : i32
      %cond3A_59 = arith.cmpi ne, %convert_element_type3A, %cond3A : i32
      scf.if %cond3A_59 {
        %add3A_82 = arith.constant 1 : i32
        %add3A_83 = arith.addi %add3A_55, %add3A_82 : i32
        %dma_start3A_84 = arith.constant 0 : i32
        %dma_start3A_85 = tpu.memref_slice %arg7[%add3A_83, %dma_start3A_84] : memref<40x128xi32, #tpu.memory_space<vmem>> -> memref<1x128xi32, #tpu.memory_space<vmem>>
        %dma_start3A_86 = tpu.memref_squeeze %dma_start3A_85 : memref<1x128xi32, #tpu.memory_space<vmem>> -> memref<128xi32, #tpu.memory_space<vmem>>
        %dma_start3A_87 = arith.constant 0 : i32
        %dma_start3A_88 = arith.constant 0 : i32
        %dma_start3A_89 = tpu.memref_slice %arg11[%dma_start3A_87, %dma_start3A_88] : memref<10240x64xf32, #tpu.memory_space<vmem_shared>> -> memref<10240x64xf32, #tpu.memory_space<vmem_shared>>
        tpu.enqueue_indirect_dma source(%dma_start3A_89 : memref<10240x64xf32, #tpu.memory_space<vmem_shared>>) target(%arg10 : memref<128x64xf32, #tpu.memory_space<vmem>>) offsets(%dma_start3A_86 : memref<128xi32, #tpu.memory_space<vmem>>) semaphore(%arg14 : memref<!tpu.dma_semaphore, #tpu.memory_space<semaphore_mem>>)
      } else {
      }
      %dma_wait3A = arith.constant 0 : i32
      %dma_wait3A_60 = tpu.memref_slice %arg7[%add3A_55, %dma_wait3A] : memref<40x128xi32, #tpu.memory_space<vmem>> -> memref<1x128xi32, #tpu.memory_space<vmem>>
      %dma_wait3A_61 = tpu.memref_squeeze %dma_wait3A_60 : memref<1x128xi32, #tpu.memory_space<vmem>> -> memref<128xi32, #tpu.memory_space<vmem>>
      %dma_wait3A_62 = arith.constant 0 : i32
      %dma_wait3A_63 = arith.constant 0 : i32
      %dma_wait3A_64 = tpu.memref_slice %arg11[%dma_wait3A_62, %dma_wait3A_63] : memref<10240x64xf32, #tpu.memory_space<vmem_shared>> -> memref<10240x64xf32, #tpu.memory_space<vmem_shared>>
      tpu.wait_indirect_dma semaphore(%arg13 : memref<!tpu.dma_semaphore, #tpu.memory_space<semaphore_mem>>) src(%dma_wait3A_64 : memref<10240x64xf32, #tpu.memory_space<vmem_shared>>) dst(%arg9 : memref<128x64xf32, #tpu.memory_space<vmem>>)
      "tpu.region"() ({
        %run_scoped3A = tpu.sem_alloc : memref<!tpu.dma_semaphore, #tpu.memory_space<semaphore_mem>>
        %dma_start3A_82 = arith.constant 0 : i32
        %dma_start3A_83 = tpu.memref_slice %arg8[%add3A_55, %dma_start3A_82] : memref<40x128xi32, #tpu.memory_space<vmem>> -> memref<1x128xi32, #tpu.memory_space<vmem>>
        %dma_start3A_84 = tpu.memref_squeeze %dma_start3A_83 : memref<1x128xi32, #tpu.memory_space<vmem>> -> memref<128xi32, #tpu.memory_space<vmem>>
        %dma_start3A_85 = arith.constant 0 : i32
        %dma_start3A_86 = arith.constant 0 : i32
        %dma_start3A_87 = tpu.memref_slice %arg12[%dma_start3A_85, %dma_start3A_86] : memref<10240x64xf32, #tpu.memory_space<vmem_shared>> -> memref<10240x64xf32, #tpu.memory_space<vmem_shared>>
        tpu.enqueue_indirect_dma source(%arg9 : memref<128x64xf32, #tpu.memory_space<vmem>>) target(%dma_start3A_87 : memref<10240x64xf32, #tpu.memory_space<vmem_shared>>) offsets(%dma_start3A_84 : memref<128xi32, #tpu.memory_space<vmem>>) semaphore(%run_scoped3A : memref<!tpu.dma_semaphore, #tpu.memory_space<semaphore_mem>>) {add = true}
        %dma_wait3A_88 = arith.constant 0 : i32
        %dma_wait3A_89 = tpu.memref_slice %arg8[%add3A_55, %dma_wait3A_88] : memref<40x128xi32, #tpu.memory_space<vmem>> -> memref<1x128xi32, #tpu.memory_space<vmem>>
        %dma_wait3A_90 = tpu.memref_squeeze %dma_wait3A_89 : memref<1x128xi32, #tpu.memory_space<vmem>> -> memref<128xi32, #tpu.memory_space<vmem>>
        %dma_wait3A_91 = arith.constant 0 : i32
        %dma_wait3A_92 = arith.constant 0 : i32
        %dma_wait3A_93 = tpu.memref_slice %arg12[%dma_wait3A_91, %dma_wait3A_92] : memref<10240x64xf32, #tpu.memory_space<vmem_shared>> -> memref<10240x64xf32, #tpu.memory_space<vmem_shared>>
        tpu.wait_indirect_dma semaphore(%run_scoped3A : memref<!tpu.dma_semaphore, #tpu.memory_space<semaphore_mem>>) src(%arg9 : memref<128x64xf32, #tpu.memory_space<vmem>>) dst(%dma_wait3A_93 : memref<10240x64xf32, #tpu.memory_space<vmem_shared>>)
        tpu.yield
      }) : () -> ()
      %mul3A_65 = arith.constant 2 : i32
      %mul3A_66 = arith.muli %scan3A_52, %mul3A_65 : i32
      %add3A_67 = arith.constant 1 : i32
      %add3A_68 = arith.addi %mul3A_66, %add3A_67 : i32
      %add3A_69 = arith.constant 1 : i32
      %add3A_70 = arith.addi %add3A_68, %add3A_69 : i32
      %lt3A_71 = arith.constant 40 : i32
      %lt3A_72 = arith.cmpi slt, %add3A_70, %lt3A_71 : i32
      %convert_element_type3A_73 = arith.extui %lt3A_72 : i1 to i32
      %cond3A_74 = arith.constant 0 : i32
      %cond3A_75 = arith.cmpi ne, %convert_element_type3A_73, %cond3A_74 : i32
      scf.if %cond3A_75 {
        %add3A_82 = arith.constant 1 : i32
        %add3A_83 = arith.addi %add3A_68, %add3A_82 : i32
        %dma_start3A_84 = arith.constant 0 : i32
        %dma_start3A_85 = tpu.memref_slice %arg7[%add3A_83, %dma_start3A_84] : memref<40x128xi32, #tpu.memory_space<vmem>> -> memref<1x128xi32, #tpu.memory_space<vmem>>
        %dma_start3A_86 = tpu.memref_squeeze %dma_start3A_85 : memref<1x128xi32, #tpu.memory_space<vmem>> -> memref<128xi32, #tpu.memory_space<vmem>>
        %dma_start3A_87 = arith.constant 0 : i32
        %dma_start3A_88 = arith.constant 0 : i32
        %dma_start3A_89 = tpu.memref_slice %arg11[%dma_start3A_87, %dma_start3A_88] : memref<10240x64xf32, #tpu.memory_space<vmem_shared>> -> memref<10240x64xf32, #tpu.memory_space<vmem_shared>>
        tpu.enqueue_indirect_dma source(%dma_start3A_89 : memref<10240x64xf32, #tpu.memory_space<vmem_shared>>) target(%arg9 : memref<128x64xf32, #tpu.memory_space<vmem>>) offsets(%dma_start3A_86 : memref<128xi32, #tpu.memory_space<vmem>>) semaphore(%arg13 : memref<!tpu.dma_semaphore, #tpu.memory_space<semaphore_mem>>)
      } else {
      }
      %dma_wait3A_76 = arith.constant 0 : i32
      %dma_wait3A_77 = tpu.memref_slice %arg7[%add3A_68, %dma_wait3A_76] : memref<40x128xi32, #tpu.memory_space<vmem>> -> memref<1x128xi32, #tpu.memory_space<vmem>>
      %dma_wait3A_78 = tpu.memref_squeeze %dma_wait3A_77 : memref<1x128xi32, #tpu.memory_space<vmem>> -> memref<128xi32, #tpu.memory_space<vmem>>
      %dma_wait3A_79 = arith.constant 0 : i32
      %dma_wait3A_80 = arith.constant 0 : i32
      %dma_wait3A_81 = tpu.memref_slice %arg11[%dma_wait3A_79, %dma_wait3A_80] : memref<10240x64xf32, #tpu.memory_space<vmem_shared>> -> memref<10240x64xf32, #tpu.memory_space<vmem_shared>>
      tpu.wait_indirect_dma semaphore(%arg14 : memref<!tpu.dma_semaphore, #tpu.memory_space<semaphore_mem>>) src(%dma_wait3A_81 : memref<10240x64xf32, #tpu.memory_space<vmem_shared>>) dst(%arg10 : memref<128x64xf32, #tpu.memory_space<vmem>>)
      "tpu.region"() ({
        %run_scoped3A = tpu.sem_alloc : memref<!tpu.dma_semaphore, #tpu.memory_space<semaphore_mem>>
        %dma_start3A_82 = arith.constant 0 : i32
        %dma_start3A_83 = tpu.memref_slice %arg8[%add3A_68, %dma_start3A_82] : memref<40x128xi32, #tpu.memory_space<vmem>> -> memref<1x128xi32, #tpu.memory_space<vmem>>
        %dma_start3A_84 = tpu.memref_squeeze %dma_start3A_83 : memref<1x128xi32, #tpu.memory_space<vmem>> -> memref<128xi32, #tpu.memory_space<vmem>>
        %dma_start3A_85 = arith.constant 0 : i32
        %dma_start3A_86 = arith.constant 0 : i32
        %dma_start3A_87 = tpu.memref_slice %arg12[%dma_start3A_85, %dma_start3A_86] : memref<10240x64xf32, #tpu.memory_space<vmem_shared>> -> memref<10240x64xf32, #tpu.memory_space<vmem_shared>>
        tpu.enqueue_indirect_dma source(%arg10 : memref<128x64xf32, #tpu.memory_space<vmem>>) target(%dma_start3A_87 : memref<10240x64xf32, #tpu.memory_space<vmem_shared>>) offsets(%dma_start3A_84 : memref<128xi32, #tpu.memory_space<vmem>>) semaphore(%run_scoped3A : memref<!tpu.dma_semaphore, #tpu.memory_space<semaphore_mem>>) {add = true}
        %dma_wait3A_88 = arith.constant 0 : i32
        %dma_wait3A_89 = tpu.memref_slice %arg8[%add3A_68, %dma_wait3A_88] : memref<40x128xi32, #tpu.memory_space<vmem>> -> memref<1x128xi32, #tpu.memory_space<vmem>>
        %dma_wait3A_90 = tpu.memref_squeeze %dma_wait3A_89 : memref<1x128xi32, #tpu.memory_space<vmem>> -> memref<128xi32, #tpu.memory_space<vmem>>
        %dma_wait3A_91 = arith.constant 0 : i32
        %dma_wait3A_92 = arith.constant 0 : i32
        %dma_wait3A_93 = tpu.memref_slice %arg12[%dma_wait3A_91, %dma_wait3A_92] : memref<10240x64xf32, #tpu.memory_space<vmem_shared>> -> memref<10240x64xf32, #tpu.memory_space<vmem_shared>>
        tpu.wait_indirect_dma semaphore(%run_scoped3A : memref<!tpu.dma_semaphore, #tpu.memory_space<semaphore_mem>>) src(%arg10 : memref<128x64xf32, #tpu.memory_space<vmem>>) dst(%dma_wait3A_93 : memref<10240x64xf32, #tpu.memory_space<vmem_shared>>)
        tpu.yield
      }) : () -> ()
    }
    %scan3A_50 = arith.constant 20 : i32
    %barrier3A_51 = arith.constant 0 : index
    tpu.barrier barrier_id(%barrier3A_51)
    "tpu.region"() ({
      %run_scoped3A = tpu.sem_alloc : memref<!tpu.dma_semaphore, #tpu.memory_space<semaphore_mem>>
      %dma_start3A_52 = arith.constant 0 : i32
      %dma_start3A_53 = arith.constant 0 : i32
      %dma_start3A_54 = tpu.memref_slice %arg6[%arg0, %dma_start3A_52, %dma_start3A_53] : memref<2x10240x64xf32, #tpu.memory_space<hbm>> -> memref<1x10240x64xf32, #tpu.memory_space<hbm>>
      %dma_start3A_55 = tpu.memref_squeeze %dma_start3A_54 : memref<1x10240x64xf32, #tpu.memory_space<hbm>> -> memref<10240x64xf32, #tpu.memory_space<hbm>>
      %dma_start3A_56 = arith.constant 0 : i32
      %dma_start3A_57 = tpu.memref_slice %dma_start3A_55[%mul3A_0, %dma_start3A_56] : memref<10240x64xf32, #tpu.memory_space<hbm>> -> memref<640x64xf32, #tpu.memory_space<hbm>>
      %dma_start3A_58 = arith.constant 0 : i32
      %dma_start3A_59 = tpu.memref_slice %arg12[%mul3A_0, %dma_start3A_58] : memref<10240x64xf32, #tpu.memory_space<vmem_shared>> -> memref<640x64xf32, #tpu.memory_space<vmem_shared>>
      tpu.enqueue_dma source(%dma_start3A_59 : memref<640x64xf32, #tpu.memory_space<vmem_shared>>) target(%dma_start3A_57 : memref<640x64xf32, #tpu.memory_space<hbm>>) target_semaphore(%run_scoped3A : memref<!tpu.dma_semaphore, #tpu.memory_space<semaphore_mem>>)
      %dma_wait3A = arith.constant 0 : i32
      %dma_wait3A_60 = arith.constant 0 : i32
      %dma_wait3A_61 = tpu.memref_slice %arg6[%arg0, %dma_wait3A, %dma_wait3A_60] : memref<2x10240x64xf32, #tpu.memory_space<hbm>> -> memref<1x10240x64xf32, #tpu.memory_space<hbm>>
      %dma_wait3A_62 = tpu.memref_squeeze %dma_wait3A_61 : memref<1x10240x64xf32, #tpu.memory_space<hbm>> -> memref<10240x64xf32, #tpu.memory_space<hbm>>
      %dma_wait3A_63 = arith.constant 0 : i32
      %dma_wait3A_64 = tpu.memref_slice %dma_wait3A_62[%mul3A_0, %dma_wait3A_63] : memref<10240x64xf32, #tpu.memory_space<hbm>> -> memref<640x64xf32, #tpu.memory_space<hbm>>
      %dma_wait3A_65 = arith.constant 0 : i32
      %dma_wait3A_66 = tpu.memref_slice %arg12[%mul3A_0, %dma_wait3A_65] : memref<10240x64xf32, #tpu.memory_space<vmem_shared>> -> memref<640x64xf32, #tpu.memory_space<vmem_shared>>
      tpu.wait_dma2 semaphore(%run_scoped3A : memref<!tpu.dma_semaphore, #tpu.memory_space<semaphore_mem>>) src(%dma_wait3A_66 : memref<640x64xf32, #tpu.memory_space<vmem_shared>>) dst(%dma_wait3A_64 : memref<640x64xf32, #tpu.memory_space<hbm>>)
      tpu.yield
    }) : () -> ()
    return
  }
}

module attributes {stable_mosaic.version = 14 : i64} {
  func.func @_mm_body(%arg0: i32, %arg1: memref<1000x128xf32, #tpu.memory_space<vmem>>, %arg2: memref<128x128xf32, #tpu.memory_space<vmem>>, %arg3: memref<1000x2xf32, #tpu.memory_space<vmem>>, %arg4: memref<2x1000x64xf32, #tpu.memory_space<vmem>>) attributes {dimension_semantics = [#tpu.dimension_semantics<arbitrary>], iteration_bounds = array<i64: 10>, scalar_prefetch = 0 : i64, scratch_operands = 0 : i64, tpu.core_type = #tpu.core_type<tc>, window_params = [{transform_indices = @transform_0, window_bounds = array<i64: 1000, 128>}, {pipeline_mode = #tpu.pipeline_mode<synchronous>, transform_indices = @transform_1, window_bounds = array<i64: 128, 128>}, {transform_indices = @transform_2, window_bounds = array<i64: 1000, 2>}, {transform_indices = @transform_3, window_bounds = array<i64: 2, 1000, 64>}]} {
    %get3A = arith.constant 0 : index
    %get3A_0 = arith.constant 0 : index
    %get3A_1 = vector.load %arg3[%get3A, %get3A_0] : memref<1000x2xf32, #tpu.memory_space<vmem>>, vector<1000x1xf32>
    %get3A_2 = arith.constant 0 : index
    %get3A_3 = arith.constant 1 : index
    %get3A_4 = vector.load %arg3[%get3A_2, %get3A_3] : memref<1000x2xf32, #tpu.memory_space<vmem>>, vector<1000x1xf32>
    %add3A = arith.addf %get3A_1, %get3A_4 : vector<1000x1xf32>
    %add3A_5 = arith.constant 1.000000e+00 : f32
    %add3A_6 = vector.broadcast %add3A_5 : f32 to vector<1000x1xf32>
    %add3A_7 = arith.addf %add3A, %add3A_6 : vector<1000x1xf32>
    %rsqrt3A = math.rsqrt %add3A_7 : vector<1000x1xf32>
    %get3A_8 = arith.constant 0 : index
    %get3A_9 = arith.constant 0 : index
    %get3A_10 = vector.load %arg1[%get3A_8, %get3A_9] : memref<1000x128xf32, #tpu.memory_space<vmem>>, vector<1000x128xf32>
    %get3A_11 = arith.constant 0 : index
    %get3A_12 = arith.constant 0 : index
    %get3A_13 = vector.load %arg2[%get3A_11, %get3A_12] : memref<128x128xf32, #tpu.memory_space<vmem>>, vector<128x128xf32>
    %dot_general3A = arith.constant dense<0.000000e+00> : vector<1000x128xf32>
    %dot_general3A_14 = tpu.matmul %get3A_10, %get3A_13, %dot_general3A {dimension_numbers = #tpu.dot_dimension_numbers<[1], [0], [0], [1], [0, 0, 1, 1], [], []>, transpose_lhs_hint = false} : vector<1000x128xf32>, vector<128x128xf32>, vector<1000x128xf32> -> vector<1000x128xf32>
    %mul3A = vector.broadcast %rsqrt3A : vector<1000x1xf32> to vector<1000x128xf32>
    %mul3A_15 = arith.mulf %dot_general3A_14, %mul3A : vector<1000x128xf32>
    %slice3A = vector.extract_strided_slice %mul3A_15 {offsets = [0, 0], sizes = [1000, 64], strides = [1, 1]} : vector<1000x128xf32> to vector<1000x64xf32>
    %swap3A = arith.constant 0 : index
    %swap3A_16 = arith.constant 0 : index
    %swap3A_17 = arith.constant 0 : index
    %swap3A_18 = vector.load %arg4[%swap3A, %swap3A_16, %swap3A_17] : memref<2x1000x64xf32, #tpu.memory_space<vmem>>, vector<1x1000x64xf32>
    %swap3A_19 = vector.shape_cast %swap3A_18 : vector<1x1000x64xf32> to vector<1000x64xf32>
    %swap3A_20 = vector.shape_cast %slice3A : vector<1000x64xf32> to vector<1x1000x64xf32>
    tpu.vector_store %arg4[%swap3A, %swap3A_16, %swap3A_17], %swap3A_20 {strides = array<i32>} : memref<2x1000x64xf32, #tpu.memory_space<vmem>>, vector<1x1000x64xf32>,
    %slice3A_21 = vector.extract_strided_slice %mul3A_15 {offsets = [0, 64], sizes = [1000, 64], strides = [1, 1]} : vector<1000x128xf32> to vector<1000x64xf32>
    %swap3A_22 = arith.constant 1 : index
    %swap3A_23 = arith.constant 0 : index
    %swap3A_24 = arith.constant 0 : index
    %swap3A_25 = vector.load %arg4[%swap3A_22, %swap3A_23, %swap3A_24] : memref<2x1000x64xf32, #tpu.memory_space<vmem>>, vector<1x1000x64xf32>
    %swap3A_26 = vector.shape_cast %swap3A_25 : vector<1x1000x64xf32> to vector<1000x64xf32>
    %swap3A_27 = vector.shape_cast %slice3A_21 : vector<1000x64xf32> to vector<1x1000x64xf32>
    tpu.vector_store %arg4[%swap3A_22, %swap3A_23, %swap3A_24], %swap3A_27 {strides = array<i32>} : memref<2x1000x64xf32, #tpu.memory_space<vmem>>, vector<1x1000x64xf32>,
    return
  }
  func.func @transform_0(%arg0: i32) -> (i32, i32) {
    %c0_i32 = arith.constant 0 : i32
    %c0_i32_0 = arith.constant 0 : i32
    return %arg0, %c0_i32 : i32, i32
  }
  func.func @transform_1(%arg0: i32) -> (i32, i32) {
    %c0_i32 = arith.constant 0 : i32
    %c0_i32_0 = arith.constant 0 : i32
    %c0_i32_1 = arith.constant 0 : i32
    return %c0_i32, %c0_i32_0 : i32, i32
  }
  func.func @transform_2(%arg0: i32) -> (i32, i32) {
    %c0_i32 = arith.constant 0 : i32
    %c0_i32_0 = arith.constant 0 : i32
    return %arg0, %c0_i32 : i32, i32
  }
  func.func @transform_3(%arg0: i32) -> (i32, i32, i32) {
    %c0_i32 = arith.constant 0 : i32
    %c0_i32_0 = arith.constant 0 : i32
    %c0_i32_1 = arith.constant 0 : i32
    return %c0_i32, %arg0, %c0_i32_0 : i32, i32, i32
  }
}

module attributes {stable_mosaic.version = 14 : i64} {
  func.func @_fin_body(%arg0: i32, %arg1: memref<2x1024x64xf32, #tpu.memory_space<vmem>>, %arg2: memref<2x1024x64xf32, #tpu.memory_space<vmem>>, %arg3: memref<1024x2xf32, #tpu.memory_space<vmem>>, %arg4: memref<1x128xf32, #tpu.memory_space<vmem>>, %arg5: memref<1024x128xf32, #tpu.memory_space<vmem>>) attributes {dimension_semantics = [#tpu.dimension_semantics<arbitrary>], iteration_bounds = array<i64: 10>, scalar_prefetch = 0 : i64, scratch_operands = 0 : i64, tpu.core_type = #tpu.core_type<tc>, window_params = [{transform_indices = @transform_0, window_bounds = array<i64: 2, 1024, 64>}, {transform_indices = @transform_1, window_bounds = array<i64: 2, 1024, 64>}, {transform_indices = @transform_2, window_bounds = array<i64: 1024, 2>}, {pipeline_mode = #tpu.pipeline_mode<synchronous>, transform_indices = @transform_3, window_bounds = array<i64: 1, 128>}, {transform_indices = @transform_4, window_bounds = array<i64: 1024, 128>}]} {
    %get3A = arith.constant 0 : index
    %get3A_0 = arith.constant 0 : index
    %get3A_1 = vector.load %arg3[%get3A, %get3A_0] : memref<1024x2xf32, #tpu.memory_space<vmem>>, vector<1024x1xf32>
    %get3A_2 = arith.constant 0 : index
    %get3A_3 = arith.constant 1 : index
    %get3A_4 = vector.load %arg3[%get3A_2, %get3A_3] : memref<1024x2xf32, #tpu.memory_space<vmem>>, vector<1024x1xf32>
    %add3A = arith.addf %get3A_1, %get3A_4 : vector<1024x1xf32>
    %add3A_5 = arith.constant 1.000000e+00 : f32
    %add3A_6 = vector.broadcast %add3A_5 : f32 to vector<1024x1xf32>
    %add3A_7 = arith.addf %add3A, %add3A_6 : vector<1024x1xf32>
    %rsqrt3A = math.rsqrt %add3A_7 : vector<1024x1xf32>
    %get3A_8 = arith.constant 0 : index
    %get3A_9 = arith.constant 0 : index
    %get3A_10 = arith.constant 0 : index
    %get3A_11 = vector.load %arg1[%get3A_8, %get3A_9, %get3A_10] : memref<2x1024x64xf32, #tpu.memory_space<vmem>>, vector<2x1024x64xf32>
    %get3A_12 = arith.constant 0 : index
    %get3A_13 = arith.constant 0 : index
    %get3A_14 = arith.constant 0 : index
    %get3A_15 = vector.load %arg2[%get3A_12, %get3A_13, %get3A_14] : memref<2x1024x64xf32, #tpu.memory_space<vmem>>, vector<2x1024x64xf32>
    %add3A_16 = arith.addf %get3A_11, %get3A_15 : vector<2x1024x64xf32>
    %slice3A = vector.extract_strided_slice %add3A_16 {offsets = [0, 0, 0], sizes = [1, 1024, 64], strides = [1, 1, 1]} : vector<2x1024x64xf32> to vector<1x1024x64xf32>
    %squeeze3A = vector.shape_cast %slice3A : vector<1x1024x64xf32> to vector<1024x64xf32>
    %slice3A_17 = vector.extract_strided_slice %add3A_16 {offsets = [1, 0, 0], sizes = [1, 1024, 64], strides = [1, 1, 1]} : vector<2x1024x64xf32> to vector<1x1024x64xf32>
    %squeeze3A_18 = vector.shape_cast %slice3A_17 : vector<1x1024x64xf32> to vector<1024x64xf32>
    %concatenate3A = tpu.concatenate %squeeze3A, %squeeze3A_18 in 1 : vector<1024x64xf32>, vector<1024x64xf32> -> vector<1024x128xf32>
    %mul3A = vector.broadcast %rsqrt3A : vector<1024x1xf32> to vector<1024x128xf32>
    %mul3A_19 = arith.mulf %mul3A, %concatenate3A : vector<1024x128xf32>
    %get3A_20 = arith.constant 0 : index
    %get3A_21 = arith.constant 0 : index
    %get3A_22 = vector.load %arg4[%get3A_20, %get3A_21] : memref<1x128xf32, #tpu.memory_space<vmem>>, vector<1x128xf32>
    %add3A_23 = vector.broadcast %get3A_22 : vector<1x128xf32> to vector<1024x128xf32>
    %add3A_24 = arith.addf %mul3A_19, %add3A_23 : vector<1024x128xf32>
    %swap3A = arith.constant 0 : index
    %swap3A_25 = arith.constant 0 : index
    %swap3A_26 = vector.load %arg5[%swap3A, %swap3A_25] : memref<1024x128xf32, #tpu.memory_space<vmem>>, vector<1024x128xf32>
    tpu.vector_store %arg5[%swap3A, %swap3A_25], %add3A_24 {strides = array<i32>} : memref<1024x128xf32, #tpu.memory_space<vmem>>, vector<1024x128xf32>,
    return
  }
  func.func @transform_0(%arg0: i32) -> (i32, i32, i32) {
    %c0_i32 = arith.constant 0 : i32
    %c0_i32_0 = arith.constant 0 : i32
    %c0_i32_1 = arith.constant 0 : i32
    return %c0_i32, %arg0, %c0_i32_0 : i32, i32, i32
  }
  func.func @transform_1(%arg0: i32) -> (i32, i32, i32) {
    %c0_i32 = arith.constant 0 : i32
    %c0_i32_0 = arith.constant 0 : i32
    %c0_i32_1 = arith.constant 0 : i32
    return %c0_i32, %arg0, %c0_i32_0 : i32, i32, i32
  }
  func.func @transform_2(%arg0: i32) -> (i32, i32) {
    %c0_i32 = arith.constant 0 : i32
    %c0_i32_0 = arith.constant 0 : i32
    return %arg0, %c0_i32 : i32, i32
  }
  func.func @transform_3(%arg0: i32) -> (i32, i32) {
    %c0_i32 = arith.constant 0 : i32
    %c0_i32_0 = arith.constant 0 : i32
    %c0_i32_1 = arith.constant 0 : i32
    return %c0_i32, %c0_i32_0 : i32, i32
  }
  func.func @transform_4(%arg0: i32) -> (i32, i32) {
    %c0_i32 = arith.constant 0 : i32
    %c0_i32_0 = arith.constant 0 : i32
    return %arg0, %c0_i32 : i32, i32
  }
}

</mosaic_0001>

<sc_bundles>
// kernel: kernel.6.cloned.1.call-start
scs
__scs_entry_jumppad:
0x0: {  	(pc) =	sbr.rel $0x88, $3  }
0x1: {  	(tag) =	ssettag $0x0;
	lr =	simm.s32 $0x1  }
0x2: {  	[smem:$0x3F9D] =	sst lr;
	_ =	strace $0xD0000000  }
0x3: {  	_ = 	snop  }
0x4: {  	_ = 	snop  }
0x5: {  	_ = 	snop  }
0x6: {  	_ = 	snop  }
0x7: {  	_ = 	snop  }
__scs_overlays_trampoline_lowered:
0x8: {  	[smem:$0x3FAC] =	sst s0  }
0x9: {  	[smem:$0x3FAD] =	sst s1  }
0xa: {  	[smem:$0x3FAE] =	sst s2  }
0xb: {  	[smem:$0x3FAF] =	sst s3  }
0xc: {  	[smem:$0x3FB0] =	sst s4  }
0xd: {  	[smem:$0x3FB1] =	sst s5  }
0xe: {  	[smem:$0x3FB2] =	sst s6  }
0xf: {  	[smem:$0x3FB3] =	sst s7  }
0x10: {  	[smem:$0x3FB4] =	sst s8  }
0x11: {  	[smem:$0x3FB5] =	sst s9;
	s0 =	simm.s32 @!p0 $0x0  }
0x12: {  	s1 =	sld [smem:$0x3F9B];
	s0 =	simm.s32 @p0 $0x1  }
0x13: {  	[smem:$0x3FB6] =	sst s0;
	s0 =	simm.s32 @!p1 $0x0  }
0x14: {  	s2 =	sld [smem:$0x3F9A];
	s0 =	simm.s32 @p1 $0x1  }
0x15: {  	[smem:$0x3FB7] =	sst s0;
	s0 =	simm.s32 @!p2 $0x0  }
0x16: {  	s3 =	sld [smem:$0x3FDB];
	s0 =	simm.s32 @p2 $0x1  }
0x17: {  	s4 =	simm.s32 $0x1BF5;
	[smem:$0x3FB9] =	sst s0  }
0x18: {  	s0 =	sld [smem:$0x3F9C];
	_ =	swait.ge [sflag:s4], $0x0  }
0x19: {  	s7 =	sld [smem:$0x3F9D]  }
0x1a: {  	s8 =	sadd.s32 $0xFFFFE003, lr  }
0x1b: {  	s9 =	sadd.s32 $0xFFFFFEF7, lr;
	s5 =	simm.s32 $0xFFFFFFFF;
	p2 =	slt.u32 s8, $0xFFFFF086  }
0x1c: {  	p1 =	slt.u32 s9, $0xF7A;
	s5 =	simm.s32 @!p2 $0x0  }
0x1d: {  	s5 =	simm.s32 @p1 $0x1;
	p0 =	seq.s32 s7, s2  }
0x1e: {  	s7 =	smul.u32 @!p0 $0xF7A, s2;
	p2 =	seq.s32 @!p0 s5, $0x0  }
0x1f: {  	s9 =	smul.u32 $0xF7A, s1;
	s8 =	simm.s32 @!p0 $0x1BF5;
	p2 =	por !p2, p0  }
0x20: {  	[sflag:s8] =	ssyncset.s32 @!p0 $0xFFFFF086;
	s6 =	sadd.s32 @!p0 s3, s7;
	s7 =	simm.s32 @!p0 $0x108  }
0x21: {  	s3 =	sadd.s32 s3, s9;
	s6 =	sadd.s32 @!p0 $0x88, s6;
	s7 =	simm.s32 @p2 $0x1082  }
0x22: {  	[simem:s7], [sflag:s8] =	dma.local @!p0 [hbm:s6], $0xF7A  }
0x23: {  	s9 =	sor.u32 $0xD0000000, s2;
	s6 =	simm.s32 $0x108;
	_ =	swait.ge @!p0 [sflag:s8], $0x0  }
0x24: {  	s3 =	sadd.s32 $0x88, s3;
	s6 =	simm.s32 @!p1 $0x1082;
	[sflag:s4] =	ssyncset.s32 $0xFFFFF086  }
0x25: {  	[simem:s6], [sflag:s4] =	dma.local [hbm:s3], $0xF7A  }
0x26: {  	[smem:$0x3F9D] =	sst s1;
	(tag) =	ssettag s2;
	_ =	strace s9  }
0x27: {  	s1 =	sld [smem:$0x3FAD]  }
0x28: {  	s2 =	sld [smem:$0x3FAE]  }
0x29: {  	s4 =	sld [smem:$0x3FB0]  }
0x2a: {  	p0 =	seq.s32 s5, $0x0;
	s5 =	sld [smem:$0x3FB1]  }
0x2b: {  	s6 =	sld [smem:$0x3FB2]  }
0x2c: {  	s7 =	sld [smem:$0x3FB3]  }
0x2d: {  	s3 =	simm.s32 $0x108;
	s8 =	sld [smem:$0x3FB4]  }
0x2e: {  	s3 =	simm.s32 @!p0 $0x1082;
	s9 =	sld [smem:$0x3FB5]  }
0x2f: {  	lr =	sadd.s32 s0, s3;
	s0 =	sld [smem:$0x3FAC]  }
0x30: {  	s3 =	sld [smem:$0x3FAF]  }
0x31: {  	[smem:$0x3FB8] =	sst s10  }
0x32: {  	s10 =	sld [smem:$0x3FB6];
	_ =	sdelay $0x3  }
0x33: {  	p0 =	seq.s32 s10, $0x1;
	s10 =	sld [smem:$0x3FB8];
	_ =	sdelay $0x3  }
0x34: {  	[smem:$0x3FB8] =	sst s10  }
0x35: {  	s10 =	sld [smem:$0x3FB7];
	_ =	sdelay $0x3  }
0x36: {  	p1 =	seq.s32 s10, $0x1;
	s10 =	sld [smem:$0x3FB8];
	_ =	sdelay $0x3  }
0x37: {  	[smem:$0x3FB8] =	sst s10  }
0x38: {  	s10 =	sld [smem:$0x3FB9]  }
0x39: {  	_ = 	snop;
	(pc) =	sbr.ind lr, $3  }
0x3a: {  	_ = 	snop  }
0x3b: {  	_ = 	snop  }
0x3c: {  	p2 =	seq.s32 s10, $0x1;
	s10 =	sld [smem:$0x3FB8]  }
0x3d: {  	_ =	shalt  }
0x3e: {  	_ =	shalt  }
0x3f: {  	_ =	shalt  }
0x40: {  	_ =	shalt  }
0x41: {  	_ =	shalt  }
0x42: {  	_ =	shalt  }
0x43: {  	_ =	shalt  }
0x44: {  	_ =	shalt  }
0x45: {  	_ =	shalt  }
0x46: {  	_ =	shalt  }
0x47: {  	_ =	shalt  }
0x48: {  	_ =	shalt  }
0x49: {  	_ =	shalt  }
0x4a: {  	_ =	shalt  }
0x4b: {  	_ =	shalt  }
0x4c: {  	_ =	shalt  }
0x4d: {  	_ =	shalt  }
0x4e: {  	_ =	shalt  }
0x4f: {  	_ =	shalt  }
0x50: {  	_ =	shalt  }
0x51: {  	_ =	shalt  }
0x52: {  	_ =	shalt  }
0x53: {  	_ =	shalt  }
0x54: {  	_ =	shalt  }
0x55: {  	_ =	shalt  }
0x56: {  	_ =	shalt  }
0x57: {  	_ =	shalt  }
0x58: {  	_ =	shalt  }
0x59: {  	_ =	shalt  }
0x5a: {  	_ =	shalt  }
0x5b: {  	_ =	shalt  }
0x5c: {  	_ =	shalt  }
0x5d: {  	_ =	shalt  }
0x5e: {  	_ =	shalt  }
0x5f: {  	_ =	shalt  }
0x60: {  	_ =	shalt  }
0x61: {  	_ =	shalt  }
0x62: {  	_ =	shalt  }
0x63: {  	_ =	shalt  }
0x64: {  	_ =	shalt  }
0x65: {  	_ =	shalt  }
0x66: {  	_ =	shalt  }
0x67: {  	_ =	shalt  }
0x68: {  	_ =	shalt  }
0x69: {  	_ =	shalt  }
0x6a: {  	_ =	shalt  }
0x6b: {  	_ =	shalt  }
0x6c: {  	_ =	shalt  }
0x6d: {  	_ =	shalt  }
0x6e: {  	_ =	shalt  }
0x6f: {  	_ =	shalt  }
0x70: {  	_ =	shalt  }
0x71: {  	_ =	shalt  }
0x72: {  	_ =	shalt  }
0x73: {  	_ =	shalt  }
0x74: {  	_ =	shalt  }
0x75: {  	_ =	shalt  }
0x76: {  	_ =	shalt  }
0x77: {  	_ =	shalt  }
0x78: {  	_ =	shalt  }
0x79: {  	_ =	shalt  }
0x7a: {  	_ =	shalt  }
0x7b: {  	_ =	shalt  }
0x7c: {  	_ =	shalt  }
0x7d: {  	_ =	shalt  }
0x7e: {  	_ =	shalt  }
0x7f: {  	_ =	shalt  }
0x80: {  	_ =	shalt  }
0x81: {  	_ =	shalt  }
0x82: {  	_ =	shalt  }
0x83: {  	_ =	shalt  }
0x84: {  	_ =	shalt  }
0x85: {  	_ =	shalt  }
0x86: {  	_ =	shalt  }
0x87: {  	_ =	shalt  }
.Lfunc_end0:
.L_simem_size_0:
called_computation_lowered:
.L_overlay_start_0:
0x88: {  	s2 =	sld [smem:$0x3FD9]  }
0x89: {  	s3 =	sld [smem:$0x3FFE];
	_ =	sdelay $0x1  }
0x8a: {  	s1 =	srdreg.scid  }
0x8b: {  	s0 =	sand.u32 $0x1, s1  }
0x8c: {  	s17 =	sshll.u32 s0, $0xA;
	s2 =	sadd.s32 s3, s2  }
0x8d: {  	s2 =	sadd.s32 s2, s17  }
0x8e: {  	[smem:$0x3FC4] =	sst s2  }
0x8f: {  	_ = 	snop  }
0x90: {  	s2 =	sld [smem:$0x3FD0];
	(tm) =	ssettm $0x1  }
0x91: {  	s18 =	sld [smem:$0x3FFB];
	_ =	sdelay $0x3  }
0x92: {  	_ =	strace s18  }
0x93: {  	s3 =	sld [smem:$0x3FFC];
	_ =	sdelay $0x3  }
0x94: {  	_ =	strace s3  }
0x95: {  	s3 =	sld [smem:$0x3FFD];
	_ =	sdelay $0x3  }
0x96: {  	_ =	strace s3  }
0x97: {  	_ =	strace $0x8FFFFFFF  }
0x98: {  	s19 =	sld [smem:$0x3FDB];
	_ =	sdelay $0x1  }
0x99: {  	s4 =	simm.s32 $_scs_section_size  }
0x9a: {  	s5 =	simm.s32 $_size__tile_overlayer_lowered;
	s6 =	simm.s32 $_tile_overlayer_lowered  }
0x9b: {  	s22 =	simm.s32 $0x1BFF;
	s21 =	sshll.u32 s6, $0x1;
	s3 =	sadd.s32 s4, s19  }
0x9c: {  	s7 =	simm.s32 $0x0;
	s20 =	sshll.u32 s5, $0x1;
	s5 =	sadd.s32 s21, s3  }
0x9d: {  	[timem:s7], [sflag:s22] =	dma.local [hbm:s5], s20  }
0x9e: {  	_ =	swait.ge [sflag:s22], s20  }
0x9f: {  	s4 =	ssub.s32 $0x0, s20;
	[sflag:s22] =	ssyncset.done $0x0  }
0xa0: {  	[sflag:s22] =	ssyncadd.s32 s4;
	_ =	sdelay $0x1  }
0xa1: {  	s23 =	simm.s32 $0x1B8B  }
0xa2: {  	_ =	swait.ge [sflag:s23], $0x1  }
0xa3: {  	[sflag:s23] =	ssyncset.done $0x0  }
0xa4: {  	s25 =	simm.s32 $0x1B8E;
	s24 =	sld [smem:$0x3FFE];
	[sflag:s23] =	ssyncadd.s32 $0xFFFFFFFF  }
0xa5: {  	s26 =	simm.s32 $execute0_lowered;
	[smem:$0x3FD2] =	sst s25  }
0xa6: {  	s5 =	sshll.u32 s26, $0x1;
	_ =	strace $0x80000046;
	[dreg:$0x1] =	wrdreg $0xFFFFFFFF  }
0xa7: {  	s28 =	simm.s32 $_size_execute0_lowered;
	s3 =	sadd.s32 s3, s5;
	[dreg:$0x0] =	wrdreg $0x0  }
0xa8: {  	s5 =	sshll.u32 s28, $0x1;
	[dreg:$0x2] =	wrdreg s3  }
0xa9: {  	[dreg:$0x3] =	wrdreg s5  }
0xaa: {  	[dreg:$0x4] =	wrdreg $0xC0  }
0xab: {  	_ =	task [dreg:s7], $0x5FFFF  }
0xac: {  	[dreg:$0x1] =	wrdreg $0xFFFFFFFF  }
0xad: {  	[dreg:$0x0] =	wrdreg $0x60  }
0xae: {  	[dreg:$0x2] =	wrdreg s24  }
0xaf: {  	[dreg:$0x3] =	wrdreg s2  }
0xb0: {  	[dreg:$0x4] =	wrdreg $0x28800  }
0xb1: {  	[dreg:$0x5] =	wrdreg $0x9  }
0xb2: {  	_ =	task.clear_ibuf [dreg:s7], $0x6FFFF;
	_ =	strace $0x90000046  }
0xb3: {  	s29 =	simm.s32 $0x9;
	_ =	strace $0x80000048  }
0xb4: {  	_ =	swait.ge [sflag:s29], $0x1  }
0xb5: {  	[sflag:s29] =	ssyncadd.s32 $0xFFFFFFFF  }
0xb6: {  	_ =	strace $0x90000048  }
0xb7: {  	_ =	sfence  }
0xb8: {  	s30 =	sld [smem:$0x0];
	_ =	sdelay $0x2  }
0xb9: {  	s31 =	sshll.u32 s1, $0xD;
	s1 =	sshrl.u32 s1, $0x2  }
0xba: {  	s3 =	sand.u32 $0x4000, s31;
	s1 =	sadd.s32 s1, s30  }
0xbb: {  	s0 =	sor.u32 s3, s0;
	s1 =	sshll.u32 s1, $0x11  }
0xbc: {  	s0 =	sor.u32 s1, s0  }
0xbd: {  	s0 =	sadd.s32 $0x8F2B, s0  }
0xbe: {  	[sflag:s0] =	ssyncadd.remote.s32 $0x1  }
0xbf: {  	_ =	sfence.sel $0xFFFF  }
0xc0: {  	[dreg:$0x0] =	wrdreg $0xFFFFFFFF;
	(pc) =	sbr.abs _section_cstart, $3  }
0xc1: {  	[dreg:$0x1] =	wrdreg $0xFFFFFFFF  }
0xc2: {  	_ =	task.clear_ibuf [dreg:s7], $0x2FFFF;
	_ =	strace $0x9FFFFFFF  }
0xc3: {  	(tm) =	ssettm $0x7FFFFFFF  }
tec
execute0_lowered:
.L_overlay_start_1:
0x0: {  	(tag) =	ssettag $0x1  }
0x1: {  	s3 =	rddreg [dreg:$0x0];
	s0 =	srdreg.scid  }
0x2: {  	s12 =	stileid.u32;
	s7 =	rddreg [dreg:$0x1]  }
0x3: {  	s1 =	rddreg [dreg:$0x2];
	s2 =	simm.s32 $0x0;
	s14 =	simm.s32 $0x0  }
0x4: {  	s8 =	sand.u32 $0x1, s0;
	s4 =	smul.u32 $0x5000, s12;
	s0 =	rddreg [dreg:$0x3]  }
0x5: {  	[smem:$0x7FF] =	sst s2;
	s29 =	smul.u32 $0x280, s12;
	s31 =	sshll.u32 s12, $0x6  }
0x6: {  	p0 =	sne.s32 s12, $0x0;
	s12 =	simm.s32 $0x80;
	s5 =	smul.u32 $0x2800, s8  }
0x7: {  	_ =	strace $0x80000047;
	s6 =	ssub.s32 $0x2, s8;
	s8 =	sshll.u32 s8, $0x4  }
0x8: {  	s13 =	sshrl.u32 @!p0 s1, $0x3;
	s30 =	sshrl.u32 s29, $0x3;
	s10 =	sshrl.u32 s6, $0x1  }
0x9: {  	s11 =	sadd.s32 s29, s1;
	s7 =	sadd.s32 s7, s8;
	s4 =	sadd.s32 s5, s4  }
0xa: {  	s10 =	ssub.s32 s6, s10;
	s5 =	sor.u32 $0x1C01, s31;
	s4 =	sshrl.u32 s4, $0x3  }
0xb: {  	s8 =	smax.u32 s10, $0x1;
	s9 =	sadd.s32 s4, s3;
	s4 =	sadd.s32 s30, s3  }
0xc: {  	s10 =	simm.s32 $0x1;
	s3 =	sadd.s32 $0xB800, s3;
	s4 =	sadd.s32 $0xBA00, s4  }
0xd: {  	s6 =	sadd.s32 $0x1800, s9;
	s9 =	sshrl.u32 s11, $0x3;
	s11 =	simm.s32 $0x2800  }
.LBB2_1:
0xe: {  	[spmem:s9], [sflag:s5] =	dma.local [hbm:s4], $0x50  }
0xf: {  	_ =	swait.ge [sflag:s10], $0x50  }
0x10: {  	[sflag:s10] =	ssyncset.done $0x0  }
0x11: {  	[sflag:s10] =	ssyncadd.s32 $0xFFFFFFB0  }
0x12: {  	[tilespmem:s11], [sflag:$0x1] =	stream.linear.gather [hbm4b:s3+s2], $0x80, $0x38;
	[tilespmem:$0x2B00] =	vst v63  }
0x13: {  	_ =	swait.ge [sflag:s10], $0x80  }
0x14: {  	[sflag:s10] =	ssyncset.done $0x0  }
0x15: {  	[sflag:s10] =	ssyncadd.s32 $0xFFFFFF80  }
0x16: {  	[tilespmem:s2], [sflag:$0x1] =	stream.linear.gather [hbm4b:s6+s2], $0x2800, $0x38;
	[tilespmem:$0x2B00] =	vst v63  }
0x17: {  	_ =	swait.ge [sflag:s10], $0x2800  }
0x18: {  	[sflag:s10] =	ssyncset.done $0x0  }
0x19: {  	[sflag:s10] =	ssyncadd.s32 $0xFFFFD800  }
0x1a: {  	s15 =	simm.s32 $0x0;
	[bflag:$0x0] =	sbarrier.arrive $0xFFFF  }
0x1b: {  	[spmem:s1] =	stream.indirect.scatter.add.f32 [tilespmem:s11], [sflag:$0x1], $0x1, s15, s12, $0xb8;
	[tilespmem:$0x2B00] =	vst v63  }
0x1c: {  	_ =	swait.ge [sflag:s10], $0x80  }
0x1d: {  	s15 =	simm.s32 $0x200;
	[sflag:s10] =	ssyncset.done $0x0  }
.LBB2_2:
0x1e: {  	s16 =	sshra.s32 s15, $0x2;
	[sflag:s10] =	ssyncadd.s32 $0xFFFFFF80;
	p1 =	sne.s32 s15, $0x9E00  }
0x1f: {  	[spmem:s1] =	stream.indirect.scatter.add.f32 [tilespmem:s11], [sflag:$0x1], $0x1, s16, s12, $0xb8;
	[tilespmem:$0x2B00] =	vst v63  }
.Ltmp0:
0x20: {  	_ = 	snop;
	(pc) =	sbr.rel @p1 .LBB2_2-.Ltmp0, $4  }
0x21: {  	_ = 	snop  }
0x22: {  	s15 =	sadd.s32 $0x200, s15  }
0x23: {  	_ =	swait.ge [sflag:s10], $0x80  }
0x24: {  	[sflag:s10] =	ssyncset.done $0x0  }
0x25: {  	[sflag:s10] =	ssyncadd.s32 $0xFFFFFF80;
	s14 =	sadd.s32 $0x1, s14  }
0x26: {  	s15 =	simm.s32 @!p0 $0x1;
	s16 =	simm.s32 @!p0 $0x20;
	p1 =	sne.s32 s14, s8  }
.Ltmp1:
0x27: {  	s17 =	simm.s32 @!p0 $0x10;
	[bflag:$0x0] =	sbarrier.arrive $0xFFFF;
	(pc) =	sbr.rel @p1 .LBB2_1-.Ltmp1, $4  }
0x28: {  	[hbm:s7@s16], [sflag:s5] =	dma.strided @!p0 [spmem:s13@s17], $0x500, s15, $0x10   }
0x29: {  	_ =	swait.ge @!p0 [sflag:s15], $0x500  }
0x2a: {  	[sflag:s15] =	ssyncset.done @!p0 $0x0  }
0x2b: {  	[sflag:s15] =	ssyncadd.s32 @!p0 $0xFFFFFB00  }
0x2c: {  	_ =	sfence.sel $0x180000  }
0x2d: {  	[bflag:$0x0] =	sbarrier.arrive $0xFFFF  }
0x2e: {  	_ =	strace $0x90000047  }
0x2f: {  	s0 =	sadd.s32 @!p0 $0x100000, s0;
	[bflag:$0x2] =	sbarrier.arrive $0xFFFF  }
0x30: {  	[sflag:s0] =	ssyncadd.tile.s32 @!p0 $0x1;
	_ =	shalt  }
.Lfunc_end2:
_tile_overlayer_lowered:
.L_overlay_start_2:
0x31: {  	(tag) =	ssettag $0x2  }
0x32: {  	s0 =	rddreg [dreg:$0x0];
	s2 =	stileid.u32  }
0x33: {  	s1 =	rddreg [dreg:$0x1];
	p0 =	sne.s32 s2, $0x0  }
0x34: {  	s3 =	rddreg [dreg:$0x2];
	[bflag:$0x3] =	sbarrier.arrive $0xFFFF;
	s2 =	simm.s32 @!p0 $0x1C01  }
0x35: {  	[timem:s3], [sflag:s2] =	dma.local @!p0 [hbm:s0], s1  }
0x36: {  	s0 =	simm.s32 @!p0 $0x1  }
0x37: {  	_ =	swait.ge @!p0 [sflag:s0], s1  }
0x38: {  	s1 =	ssub.s32 @!p0 $0x0, s1;
	[sflag:s0] =	ssyncset.done @!p0 $0x0  }
0x39: {  	[sflag:s0] =	ssyncadd.s32 @!p0 s1  }
0x3a: {  	[bflag:$0x3] =	sbarrier.arrive $0xFFFF  }
0x3b: {  	_ =	shalt  }

// kernel: kernel.9.cloned.1.call-start
scs
__scs_entry_jumppad:
0x0: {  	(pc) =	sbr.rel $0x88, $3  }
0x1: {  	(tag) =	ssettag $0x0;
	lr =	simm.s32 $0x1  }
0x2: {  	[smem:$0x3F9D] =	sst lr;
	_ =	strace $0xD0000000  }
0x3: {  	_ = 	snop  }
0x4: {  	_ = 	snop  }
0x5: {  	_ = 	snop  }
0x6: {  	_ = 	snop  }
0x7: {  	_ = 	snop  }
__scs_overlays_trampoline_lowered:
0x8: {  	[smem:$0x3FAC] =	sst s0  }
0x9: {  	[smem:$0x3FAD] =	sst s1  }
0xa: {  	[smem:$0x3FAE] =	sst s2  }
0xb: {  	[smem:$0x3FAF] =	sst s3  }
0xc: {  	[smem:$0x3FB0] =	sst s4  }
0xd: {  	[smem:$0x3FB1] =	sst s5  }
0xe: {  	[smem:$0x3FB2] =	sst s6  }
0xf: {  	[smem:$0x3FB3] =	sst s7  }
0x10: {  	[smem:$0x3FB4] =	sst s8  }
0x11: {  	[smem:$0x3FB5] =	sst s9;
	s0 =	simm.s32 @!p0 $0x0  }
0x12: {  	s1 =	sld [smem:$0x3F9B];
	s0 =	simm.s32 @p0 $0x1  }
0x13: {  	[smem:$0x3FB6] =	sst s0;
	s0 =	simm.s32 @!p1 $0x0  }
0x14: {  	s2 =	sld [smem:$0x3F9A];
	s0 =	simm.s32 @p1 $0x1  }
0x15: {  	[smem:$0x3FB7] =	sst s0;
	s0 =	simm.s32 @!p2 $0x0  }
0x16: {  	s3 =	sld [smem:$0x3FDB];
	s0 =	simm.s32 @p2 $0x1  }
0x17: {  	s4 =	simm.s32 $0x1BF5;
	[smem:$0x3FB9] =	sst s0  }
0x18: {  	s0 =	sld [smem:$0x3F9C];
	_ =	swait.ge [sflag:s4], $0x0  }
0x19: {  	s7 =	sld [smem:$0x3F9D]  }
0x1a: {  	s8 =	sadd.s32 $0xFFFFE003, lr  }
0x1b: {  	s9 =	sadd.s32 $0xFFFFFEF7, lr;
	s5 =	simm.s32 $0xFFFFFFFF;
	p2 =	slt.u32 s8, $0xFFFFF086  }
0x1c: {  	p1 =	slt.u32 s9, $0xF7A;
	s5 =	simm.s32 @!p2 $0x0  }
0x1d: {  	s5 =	simm.s32 @p1 $0x1;
	p0 =	seq.s32 s7, s2  }
0x1e: {  	s7 =	smul.u32 @!p0 $0xF7A, s2;
	p2 =	seq.s32 @!p0 s5, $0x0  }
0x1f: {  	s9 =	smul.u32 $0xF7A, s1;
	s8 =	simm.s32 @!p0 $0x1BF5;
	p2 =	por !p2, p0  }
0x20: {  	[sflag:s8] =	ssyncset.s32 @!p0 $0xFFFFF086;
	s6 =	sadd.s32 @!p0 s3, s7;
	s7 =	simm.s32 @!p0 $0x108  }
0x21: {  	s3 =	sadd.s32 s3, s9;
	s6 =	sadd.s32 @!p0 $0x88, s6;
	s7 =	simm.s32 @p2 $0x1082  }
0x22: {  	[simem:s7], [sflag:s8] =	dma.local @!p0 [hbm:s6], $0xF7A  }
0x23: {  	s9 =	sor.u32 $0xD0000000, s2;
	s6 =	simm.s32 $0x108;
	_ =	swait.ge @!p0 [sflag:s8], $0x0  }
0x24: {  	s3 =	sadd.s32 $0x88, s3;
	s6 =	simm.s32 @!p1 $0x1082;
	[sflag:s4] =	ssyncset.s32 $0xFFFFF086  }
0x25: {  	[simem:s6], [sflag:s4] =	dma.local [hbm:s3], $0xF7A  }
0x26: {  	[smem:$0x3F9D] =	sst s1;
	(tag) =	ssettag s2;
	_ =	strace s9  }
0x27: {  	s1 =	sld [smem:$0x3FAD]  }
0x28: {  	s2 =	sld [smem:$0x3FAE]  }
0x29: {  	s4 =	sld [smem:$0x3FB0]  }
0x2a: {  	p0 =	seq.s32 s5, $0x0;
	s5 =	sld [smem:$0x3FB1]  }
0x2b: {  	s6 =	sld [smem:$0x3FB2]  }
0x2c: {  	s7 =	sld [smem:$0x3FB3]  }
0x2d: {  	s3 =	simm.s32 $0x108;
	s8 =	sld [smem:$0x3FB4]  }
0x2e: {  	s3 =	simm.s32 @!p0 $0x1082;
	s9 =	sld [smem:$0x3FB5]  }
0x2f: {  	lr =	sadd.s32 s0, s3;
	s0 =	sld [smem:$0x3FAC]  }
0x30: {  	s3 =	sld [smem:$0x3FAF]  }
0x31: {  	[smem:$0x3FB8] =	sst s10  }
0x32: {  	s10 =	sld [smem:$0x3FB6];
	_ =	sdelay $0x3  }
0x33: {  	p0 =	seq.s32 s10, $0x1;
	s10 =	sld [smem:$0x3FB8];
	_ =	sdelay $0x3  }
0x34: {  	[smem:$0x3FB8] =	sst s10  }
0x35: {  	s10 =	sld [smem:$0x3FB7];
	_ =	sdelay $0x3  }
0x36: {  	p1 =	seq.s32 s10, $0x1;
	s10 =	sld [smem:$0x3FB8];
	_ =	sdelay $0x3  }
0x37: {  	[smem:$0x3FB8] =	sst s10  }
0x38: {  	s10 =	sld [smem:$0x3FB9]  }
0x39: {  	_ = 	snop;
	(pc) =	sbr.ind lr, $3  }
0x3a: {  	_ = 	snop  }
0x3b: {  	_ = 	snop  }
0x3c: {  	p2 =	seq.s32 s10, $0x1;
	s10 =	sld [smem:$0x3FB8]  }
0x3d: {  	_ =	shalt  }
0x3e: {  	_ =	shalt  }
0x3f: {  	_ =	shalt  }
0x40: {  	_ =	shalt  }
0x41: {  	_ =	shalt  }
0x42: {  	_ =	shalt  }
0x43: {  	_ =	shalt  }
0x44: {  	_ =	shalt  }
0x45: {  	_ =	shalt  }
0x46: {  	_ =	shalt  }
0x47: {  	_ =	shalt  }
0x48: {  	_ =	shalt  }
0x49: {  	_ =	shalt  }
0x4a: {  	_ =	shalt  }
0x4b: {  	_ =	shalt  }
0x4c: {  	_ =	shalt  }
0x4d: {  	_ =	shalt  }
0x4e: {  	_ =	shalt  }
0x4f: {  	_ =	shalt  }
0x50: {  	_ =	shalt  }
0x51: {  	_ =	shalt  }
0x52: {  	_ =	shalt  }
0x53: {  	_ =	shalt  }
0x54: {  	_ =	shalt  }
0x55: {  	_ =	shalt  }
0x56: {  	_ =	shalt  }
0x57: {  	_ =	shalt  }
0x58: {  	_ =	shalt  }
0x59: {  	_ =	shalt  }
0x5a: {  	_ =	shalt  }
0x5b: {  	_ =	shalt  }
0x5c: {  	_ =	shalt  }
0x5d: {  	_ =	shalt  }
0x5e: {  	_ =	shalt  }
0x5f: {  	_ =	shalt  }
0x60: {  	_ =	shalt  }
0x61: {  	_ =	shalt  }
0x62: {  	_ =	shalt  }
0x63: {  	_ =	shalt  }
0x64: {  	_ =	shalt  }
0x65: {  	_ =	shalt  }
0x66: {  	_ =	shalt  }
0x67: {  	_ =	shalt  }
0x68: {  	_ =	shalt  }
0x69: {  	_ =	shalt  }
0x6a: {  	_ =	shalt  }
0x6b: {  	_ =	shalt  }
0x6c: {  	_ =	shalt  }
0x6d: {  	_ =	shalt  }
0x6e: {  	_ =	shalt  }
0x6f: {  	_ =	shalt  }
0x70: {  	_ =	shalt  }
0x71: {  	_ =	shalt  }
0x72: {  	_ =	shalt  }
0x73: {  	_ =	shalt  }
0x74: {  	_ =	shalt  }
0x75: {  	_ =	shalt  }
0x76: {  	_ =	shalt  }
0x77: {  	_ =	shalt  }
0x78: {  	_ =	shalt  }
0x79: {  	_ =	shalt  }
0x7a: {  	_ =	shalt  }
0x7b: {  	_ =	shalt  }
0x7c: {  	_ =	shalt  }
0x7d: {  	_ =	shalt  }
0x7e: {  	_ =	shalt  }
0x7f: {  	_ =	shalt  }
0x80: {  	_ =	shalt  }
0x81: {  	_ =	shalt  }
0x82: {  	_ =	shalt  }
0x83: {  	_ =	shalt  }
0x84: {  	_ =	shalt  }
0x85: {  	_ =	shalt  }
0x86: {  	_ =	shalt  }
0x87: {  	_ =	shalt  }
.Lfunc_end0:
.L_simem_size_0:
called_computation.1_lowered:
.L_overlay_start_0:
0x88: {  	s2 =	sld [smem:$0x3FD9]  }
0x89: {  	s3 =	sld [smem:$0x3FFE];
	_ =	sdelay $0x1  }
0x8a: {  	s1 =	srdreg.scid  }
0x8b: {  	s0 =	sand.u32 $0x1, s1  }
0x8c: {  	s17 =	sshll.u32 s0, $0xA;
	s2 =	sadd.s32 s3, s2  }
0x8d: {  	s2 =	sadd.s32 s2, s17  }
0x8e: {  	[smem:$0x3FC4] =	sst s2  }
0x8f: {  	_ = 	snop  }
0x90: {  	s2 =	sld [smem:$0x3FD0];
	(tm) =	ssettm $0x1  }
0x91: {  	s18 =	sld [smem:$0x3FFB];
	_ =	sdelay $0x3  }
0x92: {  	_ =	strace s18  }
0x93: {  	s3 =	sld [smem:$0x3FFC];
	_ =	sdelay $0x3  }
0x94: {  	_ =	strace s3  }
0x95: {  	s3 =	sld [smem:$0x3FFD];
	_ =	sdelay $0x3  }
0x96: {  	_ =	strace s3  }
0x97: {  	_ =	strace $0x8FFFFFFF  }
0x98: {  	s19 =	sld [smem:$0x3FDB];
	_ =	sdelay $0x1  }
0x99: {  	s4 =	simm.s32 $_scs_section_size  }
0x9a: {  	s5 =	simm.s32 $_size__tile_overlayer_lowered;
	s6 =	simm.s32 $_tile_overlayer_lowered  }
0x9b: {  	s22 =	simm.s32 $0x1BFF;
	s21 =	sshll.u32 s6, $0x1;
	s3 =	sadd.s32 s4, s19  }
0x9c: {  	s7 =	simm.s32 $0x0;
	s20 =	sshll.u32 s5, $0x1;
	s5 =	sadd.s32 s21, s3  }
0x9d: {  	[timem:s7], [sflag:s22] =	dma.local [hbm:s5], s20  }
0x9e: {  	_ =	swait.ge [sflag:s22], s20  }
0x9f: {  	s4 =	ssub.s32 $0x0, s20;
	[sflag:s22] =	ssyncset.done $0x0  }
0xa0: {  	[sflag:s22] =	ssyncadd.s32 s4;
	_ =	sdelay $0x1  }
0xa1: {  	s23 =	simm.s32 $0x1B8B  }
0xa2: {  	_ =	swait.ge [sflag:s23], $0x1  }
0xa3: {  	[sflag:s23] =	ssyncset.done $0x0  }
0xa4: {  	s25 =	simm.s32 $0x1B8E;
	s24 =	sld [smem:$0x3FFE];
	[sflag:s23] =	ssyncadd.s32 $0xFFFFFFFF  }
0xa5: {  	s26 =	simm.s32 $execute0_lowered;
	[smem:$0x3FD2] =	sst s25  }
0xa6: {  	s5 =	sshll.u32 s26, $0x1;
	_ =	strace $0x80000049;
	[dreg:$0x1] =	wrdreg $0xFFFFFFFF  }
0xa7: {  	s28 =	simm.s32 $_size_execute0_lowered;
	s3 =	sadd.s32 s3, s5;
	[dreg:$0x0] =	wrdreg $0x0  }
0xa8: {  	s5 =	sshll.u32 s28, $0x1;
	[dreg:$0x2] =	wrdreg s3  }
0xa9: {  	[dreg:$0x3] =	wrdreg s5  }
0xaa: {  	[dreg:$0x4] =	wrdreg $0xC0  }
0xab: {  	_ =	task [dreg:s7], $0x5FFFF  }
0xac: {  	[dreg:$0x1] =	wrdreg $0xFFFFFFFF  }
0xad: {  	[dreg:$0x0] =	wrdreg $0x60  }
0xae: {  	[dreg:$0x2] =	wrdreg s24  }
0xaf: {  	[dreg:$0x3] =	wrdreg s2  }
0xb0: {  	[dreg:$0x4] =	wrdreg $0x68000  }
0xb1: {  	[dreg:$0x5] =	wrdreg $0x108000  }
0xb2: {  	[dreg:$0x6] =	wrdreg $0x9  }
0xb3: {  	_ =	task.clear_ibuf [dreg:s7], $0x7FFFF;
	_ =	strace $0x90000049  }
0xb4: {  	s29 =	simm.s32 $0x9;
	_ =	strace $0x8000004B  }
0xb5: {  	_ =	swait.ge [sflag:s29], $0x1  }
0xb6: {  	[sflag:s29] =	ssyncadd.s32 $0xFFFFFFFF  }
0xb7: {  	_ =	strace $0x9000004B  }
0xb8: {  	_ =	sfence  }
0xb9: {  	s30 =	sld [smem:$0x0];
	_ =	sdelay $0x2  }
0xba: {  	s31 =	sshll.u32 s1, $0xD;
	s1 =	sshrl.u32 s1, $0x2  }
0xbb: {  	s3 =	sand.u32 $0x4000, s31;
	s1 =	sadd.s32 s1, s30  }
0xbc: {  	s0 =	sor.u32 s3, s0;
	s1 =	sshll.u32 s1, $0x11  }
0xbd: {  	s0 =	sor.u32 s1, s0  }
0xbe: {  	s0 =	sadd.s32 $0x8F2B, s0  }
0xbf: {  	[sflag:s0] =	ssyncadd.remote.s32 $0x1  }
0xc0: {  	_ =	sfence.sel $0xFFFF  }
0xc1: {  	[dreg:$0x0] =	wrdreg $0xFFFFFFFF;
	(pc) =	sbr.abs _section_cstart, $3  }
0xc2: {  	[dreg:$0x1] =	wrdreg $0xFFFFFFFF  }
0xc3: {  	_ =	task.clear_ibuf [dreg:s7], $0x2FFFF;
	_ =	strace $0x9FFFFFFF  }
0xc4: {  	(tm) =	ssettm $0x7FFFFFFF  }
0xc5: {  	_ =	shalt  }
tec
execute0_lowered:
.L_overlay_start_1:
0x0: {  	(tag) =	ssettag $0x1  }
0x1: {  	s0 =	rddreg [dreg:$0x0]  }
0x2: {  	s4 =	rddreg [dreg:$0x1]  }
0x3: {  	s1 =	rddreg [dreg:$0x2]  }
0x4: {  	s2 =	rddreg [dreg:$0x3]  }
0x5: {  	s3 =	simm.s32 $0x0;
	s5 =	srdreg.scid;
	s9 =	stileid.u32  }
0x6: {  	s19 =	simm.s32 $0x3;
	s28 =	simm.s32 $0x1380;
	s29 =	simm.s32 $0x2700  }
0x7: {  	s30 =	simm.s32 $0x2780;
	s31 =	simm.s32 $0x0;
	[smem:$0x7FF] =	sst s3  }
0x8: {  	s5 =	sand.u32 $0x1, s5;
	s7 =	smul.u32 $0xA000, s9;
	s15 =	sadd.s32 $0xC000, s0  }
0x9: {  	s16 =	sadd.s32 $0x1800, s0;
	s8 =	smul.u32 $0x5000, s9;
	s22 =	sshll.u32 s9, $0x6  }
0xa: {  	s6 =	smul.u32 $0x14000, s5;
	_ =	strace $0x8000004A;
	s5 =	ssub.s32 $0x2, s5  }
0xb: {  	s20 =	sshrl.u32 s5, $0x1;
	s24 =	sshrl.u32 s7, $0x3;
	s18 =	sadd.s32 s7, s1  }
0xc: {  	s7 =	sadd.s32 s7, s2;
	s14 =	sshrl.u32 s8, $0x3;
	s0 =	sadd.s32 s6, s0  }
0xd: {  	s5 =	ssub.s32 s5, s20;
	[dreg:$0x6] =	wrdreg s7;
	s4 =	sadd.s32 s4, s24  }
0xe: {  	s23 =	sadd.s32 s15, s14;
	s25 =	sadd.s32 $0x280, s14;
	s10 =	sadd.s32 s16, s14  }
0xf: {  	s17 =	sadd.s32 $0x500, s14;
	s26 =	sadd.s32 $0x780, s14;
	s18 =	sshrl.u32 s18, $0x3  }
0x10: {  	s20 =	simm.s32 $0x1400;
	s21 =	sadd.s32 s24, s0;
	[dreg:$0x7] =	wrdreg s4  }
0x11: {  	[dreg:$0x8] =	wrdreg s23;
	s11 =	sadd.s32 s15, s25;
	s12 =	sadd.s32 s16, s25  }
0x12: {  	s13 =	sadd.s32 s15, s17;
	s14 =	sadd.s32 s16, s17;
	s15 =	sadd.s32 s15, s26  }
0x13: {  	s16 =	sadd.s32 s16, s26;
	s0 =	sadd.s32 $0xB6000, s0;
	s17 =	smax.u32 s5, $0x1  }
0x14: {  	s23 =	simm.s32 $0x4800;
	s25 =	simm.s32 $0x1;
	s26 =	simm.s32 $0x2  }
0x15: {  	s6 =	sadd.s32 $0x8E000, s21;
	s21 =	simm.s32 $0x80;
	s24 =	sadd.s32 s24, s0  }
0x16: {  	[dreg:$0x5] =	wrdreg s6;
	s6 =	sor.u32 $0x1C03, s22;
	s22 =	simm.s32 $0x2800  }
.LBB2_1:
0x17: {  	s0 =	rddreg [dreg:$0x5]  }
0x18: {  	[spmem:s18], [sflag:s6] =	dma.local [hbm:s0], $0x1400  }
0x19: {  	_ =	swait.ge [sflag:s19], $0x1400  }
0x1a: {  	[sflag:s19] =	ssyncset.done $0x0;
	s8 =	rddreg [dreg:$0x6]  }
0x1b: {  	s4 =	rddreg [dreg:$0x7];
	[sflag:s19] =	ssyncadd.s32 $0xFFFFEC00;
	s0 =	sshrl.u32 s8, $0x3  }
0x1c: {  	[spmem:s0], [sflag:s6] =	dma.local [hbm:s4], $0x1400  }
0x1d: {  	_ =	swait.ge [sflag:s19], $0x1400  }
0x1e: {  	[sflag:s19] =	ssyncset.done $0x0  }
0x1f: {  	[sflag:s19] =	ssyncadd.s32 $0xFFFFEC00  }
0x20: {  	[bflag:$0x0] =	sbarrier.arrive $0xFFFF  }
0x21: {  	s9 =	rddreg [dreg:$0x8]  }
0x22: {  	[tilespmem:s3], [sflag:$0x3] =	stream.linear.gather [hbm4b:s9+s3], $0x1400, $0x38;
	[tilespmem:$0x1A800] =	vst v63  }
0x23: {  	_ =	swait.ge [sflag:s19], $0x1400  }
0x24: {  	[sflag:s19] =	ssyncset.done $0x0  }
0x25: {  	[sflag:s19] =	ssyncadd.s32 $0xFFFFEC00  }
0x26: {  	[tilespmem:s20], [sflag:$0x3] =	stream.linear.gather [hbm4b:s10+s3], $0x1400, $0x38;
	[tilespmem:$0x1A800] =	vst v63  }
0x27: {  	_ =	swait.ge [sflag:s19], $0x1400  }
0x28: {  	[sflag:s19] =	ssyncset.done $0x0  }
0x29: {  	[sflag:s19] =	ssyncadd.s32 $0xFFFFEC00  }
0x2a: {  	[tilespmem:s22], [sflag:$0x1] =	stream.indirect.gather [spmem:s1], $0x40, s3, s21, $0xb8;
	[tilespmem:$0x1A800] =	vst v63  }
0x2b: {  	s5 =	simm.s32 $0x80  }
0x2c: {  	[tilespmem:s23], [sflag:$0x2] =	stream.indirect.gather [spmem:s1], $0x40, s5, s21, $0xb8;
	[tilespmem:$0x1A800] =	vst v63  }
0x2d: {  	_ =	swait.ge [sflag:s25], $0x2000  }
0x2e: {  	[sflag:s25] =	ssyncset.done $0x0  }
0x2f: {  	s7 =	simm.s32 $0x1400;
	[sflag:s25] =	ssyncadd.s32 $0xFFFFE000  }
0x30: {  	[spmem:s2] =	stream.indirect.scatter.add.f32 [tilespmem:s22], [sflag:$0x3], $0x40, s7, s21, $0xb8;
	[tilespmem:$0x1A800] =	vst v63  }
0x31: {  	_ =	swait.ge [sflag:s19], $0x2000  }
0x32: {  	[sflag:s19] =	ssyncset.done $0x0  }
0x33: {  	s8 =	simm.s32 $0x100;
	[sflag:s19] =	ssyncadd.s32 $0xFFFFE000  }
0x34: {  	[tilespmem:s22], [sflag:$0x1] =	stream.indirect.gather [spmem:s1], $0x40, s8, s21, $0xb8;
	[tilespmem:$0x1A800] =	vst v63  }
0x35: {  	_ =	swait.ge [sflag:s26], $0x2000  }
0x36: {  	[sflag:s26] =	ssyncset.done $0x0  }
0x37: {  	s9 =	simm.s32 $0x1480;
	[sflag:s26] =	ssyncadd.s32 $0xFFFFE000  }
0x38: {  	[spmem:s2] =	stream.indirect.scatter.add.f32 [tilespmem:s23], [sflag:$0x3], $0x40, s9, s21, $0xb8;
	[tilespmem:$0x1A800] =	vst v63  }
0x39: {  	_ =	swait.ge [sflag:s19], $0x2000  }
0x3a: {  	s4 =	simm.s32 $0x100;
	s5 =	simm.s32 $0x800;
	[sflag:s19] =	ssyncset.done $0x0  }
.LBB2_2:
0x3b: {  	s7 =	sadd.s32 $0x80, s4  }
0x3c: {  	[sflag:s19] =	ssyncadd.s32 $0xFFFFE000;
	s8 =	smov.u32 s5;
	s9 =	sadd.s32 $0x400, s5  }
0x3d: {  	[tilespmem:s23], [sflag:$0x2] =	stream.indirect.gather [spmem:s1], $0x40, s7, s21, $0xb8;
	[tilespmem:$0x1A800] =	vst v63  }
0x3e: {  	p0 =	sne.s32 s5, $0x4800;
	_ =	swait.ge [sflag:s25], $0x2000  }
0x3f: {  	[sflag:s25] =	ssyncset.done $0x0  }
0x40: {  	s5 =	sadd.s32 $0x1400, s4;
	[sflag:s25] =	ssyncadd.s32 $0xFFFFE000  }
0x41: {  	[spmem:s2] =	stream.indirect.scatter.add.f32 [tilespmem:s22], [sflag:$0x3], $0x40, s5, s21, $0xb8;
	[tilespmem:$0x1A800] =	vst v63  }
0x42: {  	_ =	swait.ge [sflag:s19], $0x2000  }
0x43: {  	[sflag:s19] =	ssyncset.done $0x0  }
0x44: {  	s5 =	sadd.s32 $0x100, s4;
	[sflag:s19] =	ssyncadd.s32 $0xFFFFE000  }
0x45: {  	[tilespmem:s22], [sflag:$0x1] =	stream.indirect.gather [spmem:s1], $0x40, s5, s21, $0xb8;
	[tilespmem:$0x1A800] =	vst v63  }
0x46: {  	_ =	swait.ge [sflag:s26], $0x2000  }
.Ltmp0:
0x47: {  	[sflag:s26] =	ssyncset.done $0x0;
	(pc) =	sbr.rel @p0 .LBB2_2-.Ltmp0, $4  }
0x48: {  	s4 =	sadd.s32 $0x1480, s4;
	[sflag:s26] =	ssyncadd.s32 $0xFFFFE000  }
0x49: {  	[spmem:s2] =	stream.indirect.scatter.add.f32 [tilespmem:s23], [sflag:$0x3], $0x40, s4, s21, $0xb8;
	[tilespmem:$0x1A800] =	vst v63  }
0x4a: {  	_ =	swait.ge [sflag:s19], $0x2000  }
0x4b: {  	s5 =	smov.u32 s9;
	s4 =	sshra.s32 s8, $0x2;
	[sflag:s19] =	ssyncset.done $0x0  }
0x4c: {  	s5 =	sadd.s32 $0x80, s4;
	[sflag:s19] =	ssyncadd.s32 $0xFFFFE000  }
0x4d: {  	[tilespmem:s23], [sflag:$0x2] =	stream.indirect.gather [spmem:s1], $0x40, s5, s21, $0xb8;
	[tilespmem:$0x1A800] =	vst v63  }
0x4e: {  	_ =	swait.ge [sflag:s25], $0x2000  }
0x4f: {  	[sflag:s25] =	ssyncset.done $0x0  }
0x50: {  	s9 =	sadd.s32 $0x1400, s4;
	[sflag:s25] =	ssyncadd.s32 $0xFFFFE000  }
0x51: {  	[spmem:s2] =	stream.indirect.scatter.add.f32 [tilespmem:s22], [sflag:$0x3], $0x40, s9, s21, $0xb8;
	[tilespmem:$0x1A800] =	vst v63  }
0x52: {  	_ =	swait.ge [sflag:s19], $0x2000  }
0x53: {  	[sflag:s19] =	ssyncset.done $0x0  }
0x54: {  	s7 =	sadd.s32 $0x100, s4;
	[sflag:s19] =	ssyncadd.s32 $0xFFFFE000  }
0x55: {  	[tilespmem:s22], [sflag:$0x1] =	stream.indirect.gather [spmem:s1], $0x40, s7, s21, $0xb8;
	[tilespmem:$0x1A800] =	vst v63  }
0x56: {  	_ =	swait.ge [sflag:s26], $0x2000  }
0x57: {  	[sflag:s26] =	ssyncset.done $0x0  }
0x58: {  	s8 =	sadd.s32 $0x1480, s4;
	[sflag:s26] =	ssyncadd.s32 $0xFFFFE000  }
0x59: {  	[spmem:s2] =	stream.indirect.scatter.add.f32 [tilespmem:s23], [sflag:$0x3], $0x40, s8, s21, $0xb8;
	[tilespmem:$0x1A800] =	vst v63  }
0x5a: {  	_ =	swait.ge [sflag:s19], $0x2000  }
0x5b: {  	[sflag:s19] =	ssyncset.done $0x0  }
0x5c: {  	[sflag:s19] =	ssyncadd.s32 $0xFFFFE000  }
0x5d: {  	[tilespmem:s23], [sflag:$0x2] =	stream.indirect.gather [spmem:s1], $0x40, s28, s21, $0xb8;
	[tilespmem:$0x1A800] =	vst v63  }
0x5e: {  	_ =	swait.ge [sflag:s25], $0x2000  }
0x5f: {  	[sflag:s25] =	ssyncset.done $0x0  }
0x60: {  	[sflag:s25] =	ssyncadd.s32 $0xFFFFE000  }
0x61: {  	[spmem:s2] =	stream.indirect.scatter.add.f32 [tilespmem:s22], [sflag:$0x3], $0x40, s29, s21, $0xb8;
	[tilespmem:$0x1A800] =	vst v63  }
0x62: {  	_ =	swait.ge [sflag:s19], $0x2000  }
0x63: {  	[sflag:s19] =	ssyncset.done $0x0  }
0x64: {  	[sflag:s19] =	ssyncadd.s32 $0xFFFFE000  }
0x65: {  	_ =	swait.ge [sflag:s26], $0x2000  }
0x66: {  	[sflag:s26] =	ssyncset.done $0x0  }
0x67: {  	[sflag:s26] =	ssyncadd.s32 $0xFFFFE000  }
0x68: {  	[spmem:s2] =	stream.indirect.scatter.add.f32 [tilespmem:s23], [sflag:$0x3], $0x40, s30, s21, $0xb8;
	[tilespmem:$0x1A800] =	vst v63  }
0x69: {  	_ =	swait.ge [sflag:s19], $0x2000  }
0x6a: {  	[sflag:s19] =	ssyncset.done $0x0  }
0x6b: {  	s9 =	simm.s32 $0x0;
	[sflag:s19] =	ssyncadd.s32 $0xFFFFE000  }
0x6c: {  	[tilespmem:s9], [sflag:$0x3] =	stream.linear.gather [hbm4b:s11+s9], $0x1400, $0x38;
	[tilespmem:$0x1A800] =	vst v63  }
0x6d: {  	_ =	swait.ge [sflag:s19], $0x1400  }
0x6e: {  	[sflag:s19] =	ssyncset.done $0x0  }
0x6f: {  	[sflag:s19] =	ssyncadd.s32 $0xFFFFEC00  }
0x70: {  	[tilespmem:s20], [sflag:$0x3] =	stream.linear.gather [hbm4b:s12+s9], $0x1400, $0x38;
	[tilespmem:$0x1A800] =	vst v63  }
0x71: {  	_ =	swait.ge [sflag:s19], $0x1400  }
0x72: {  	[sflag:s19] =	ssyncset.done $0x0  }
0x73: {  	[sflag:s19] =	ssyncadd.s32 $0xFFFFEC00  }
0x74: {  	[tilespmem:s22], [sflag:$0x1] =	stream.indirect.gather [spmem:s1], $0x40, s9, s21, $0xb8;
	[tilespmem:$0x1A800] =	vst v63  }
0x75: {  	s5 =	simm.s32 $0x80  }
0x76: {  	[tilespmem:s23], [sflag:$0x2] =	stream.indirect.gather [spmem:s1], $0x40, s5, s21, $0xb8;
	[tilespmem:$0x1A800] =	vst v63  }
0x77: {  	_ =	swait.ge [sflag:s25], $0x2000  }
0x78: {  	[sflag:s25] =	ssyncset.done $0x0  }
0x79: {  	s7 =	simm.s32 $0x1400;
	[sflag:s25] =	ssyncadd.s32 $0xFFFFE000  }
0x7a: {  	[spmem:s2] =	stream.indirect.scatter.add.f32 [tilespmem:s22], [sflag:$0x3], $0x40, s7, s21, $0xb8;
	[tilespmem:$0x1A800] =	vst v63  }
0x7b: {  	_ =	swait.ge [sflag:s19], $0x2000  }
0x7c: {  	[sflag:s19] =	ssyncset.done $0x0  }
0x7d: {  	s8 =	simm.s32 $0x100;
	[sflag:s19] =	ssyncadd.s32 $0xFFFFE000  }
0x7e: {  	[tilespmem:s22], [sflag:$0x1] =	stream.indirect.gather [spmem:s1], $0x40, s8, s21, $0xb8;
	[tilespmem:$0x1A800] =	vst v63  }
0x7f: {  	_ =	swait.ge [sflag:s26], $0x2000  }
0x80: {  	[sflag:s26] =	ssyncset.done $0x0  }
0x81: {  	s9 =	simm.s32 $0x1480;
	[sflag:s26] =	ssyncadd.s32 $0xFFFFE000  }
0x82: {  	[spmem:s2] =	stream.indirect.scatter.add.f32 [tilespmem:s23], [sflag:$0x3], $0x40, s9, s21, $0xb8;
	[tilespmem:$0x1A800] =	vst v63  }
0x83: {  	_ =	swait.ge [sflag:s19], $0x2000  }
0x84: {  	s4 =	simm.s32 $0x100;
	s5 =	simm.s32 $0x800;
	[sflag:s19] =	ssyncset.done $0x0  }
.LBB2_4:
0x85: {  	s7 =	sadd.s32 $0x80, s4  }
0x86: {  	[sflag:s19] =	ssyncadd.s32 $0xFFFFE000;
	s8 =	smov.u32 s5;
	s9 =	sadd.s32 $0x400, s5  }
0x87: {  	[tilespmem:s23], [sflag:$0x2] =	stream.indirect.gather [spmem:s1], $0x40, s7, s21, $0xb8;
	[tilespmem:$0x1A800] =	vst v63  }
0x88: {  	p0 =	sne.s32 s5, $0x4800;
	_ =	swait.ge [sflag:s25], $0x2000  }
0x89: {  	[sflag:s25] =	ssyncset.done $0x0  }
0x8a: {  	s5 =	sadd.s32 $0x1400, s4;
	[sflag:s25] =	ssyncadd.s32 $0xFFFFE000  }
0x8b: {  	[spmem:s2] =	stream.indirect.scatter.add.f32 [tilespmem:s22], [sflag:$0x3], $0x40, s5, s21, $0xb8;
	[tilespmem:$0x1A800] =	vst v63  }
0x8c: {  	_ =	swait.ge [sflag:s19], $0x2000  }
0x8d: {  	[sflag:s19] =	ssyncset.done $0x0  }
0x8e: {  	s5 =	sadd.s32 $0x100, s4;
	[sflag:s19] =	ssyncadd.s32 $0xFFFFE000  }
0x8f: {  	[tilespmem:s22], [sflag:$0x1] =	stream.indirect.gather [spmem:s1], $0x40, s5, s21, $0xb8;
	[tilespmem:$0x1A800] =	vst v63  }
0x90: {  	_ =	swait.ge [sflag:s26], $0x2000  }
.Ltmp1:
0x91: {  	[sflag:s26] =	ssyncset.done $0x0;
	(pc) =	sbr.rel @p0 .LBB2_4-.Ltmp1, $4  }
0x92: {  	s4 =	sadd.s32 $0x1480, s4;
	[sflag:s26] =	ssyncadd.s32 $0xFFFFE000  }
0x93: {  	[spmem:s2] =	stream.indirect.scatter.add.f32 [tilespmem:s23], [sflag:$0x3], $0x40, s4, s21, $0xb8;
	[tilespmem:$0x1A800] =	vst v63  }
0x94: {  	_ =	swait.ge [sflag:s19], $0x2000  }
0x95: {  	s5 =	smov.u32 s9;
	s4 =	sshra.s32 s8, $0x2;
	[sflag:s19] =	ssyncset.done $0x0  }
0x96: {  	s5 =	sadd.s32 $0x80, s4;
	[sflag:s19] =	ssyncadd.s32 $0xFFFFE000  }
0x97: {  	[tilespmem:s23], [sflag:$0x2] =	stream.indirect.gather [spmem:s1], $0x40, s5, s21, $0xb8;
	[tilespmem:$0x1A800] =	vst v63  }
0x98: {  	_ =	swait.ge [sflag:s25], $0x2000  }
0x99: {  	[sflag:s25] =	ssyncset.done $0x0  }
0x9a: {  	s9 =	sadd.s32 $0x1400, s4;
	[sflag:s25] =	ssyncadd.s32 $0xFFFFE000  }
0x9b: {  	[spmem:s2] =	stream.indirect.scatter.add.f32 [tilespmem:s22], [sflag:$0x3], $0x40, s9, s21, $0xb8;
	[tilespmem:$0x1A800] =	vst v63  }
0x9c: {  	_ =	swait.ge [sflag:s19], $0x2000  }
0x9d: {  	[sflag:s19] =	ssyncset.done $0x0  }
0x9e: {  	s7 =	sadd.s32 $0x100, s4;
	[sflag:s19] =	ssyncadd.s32 $0xFFFFE000  }
0x9f: {  	[tilespmem:s22], [sflag:$0x1] =	stream.indirect.gather [spmem:s1], $0x40, s7, s21, $0xb8;
	[tilespmem:$0x1A800] =	vst v63  }
0xa0: {  	_ =	swait.ge [sflag:s26], $0x2000  }
0xa1: {  	[sflag:s26] =	ssyncset.done $0x0  }
0xa2: {  	s8 =	sadd.s32 $0x1480, s4;
	[sflag:s26] =	ssyncadd.s32 $0xFFFFE000  }
0xa3: {  	[spmem:s2] =	stream.indirect.scatter.add.f32 [tilespmem:s23], [sflag:$0x3], $0x40, s8, s21, $0xb8;
	[tilespmem:$0x1A800] =	vst v63  }
0xa4: {  	_ =	swait.ge [sflag:s19], $0x2000  }
0xa5: {  	[sflag:s19] =	ssyncset.done $0x0  }
0xa6: {  	[sflag:s19] =	ssyncadd.s32 $0xFFFFE000  }
0xa7: {  	[tilespmem:s23], [sflag:$0x2] =	stream.indirect.gather [spmem:s1], $0x40, s28, s21, $0xb8;
	[tilespmem:$0x1A800] =	vst v63  }
0xa8: {  	_ =	swait.ge [sflag:s25], $0x2000  }
0xa9: {  	[sflag:s25] =	ssyncset.done $0x0  }
0xaa: {  	[sflag:s25] =	ssyncadd.s32 $0xFFFFE000  }
0xab: {  	[spmem:s2] =	stream.indirect.scatter.add.f32 [tilespmem:s22], [sflag:$0x3], $0x40, s29, s21, $0xb8;
	[tilespmem:$0x1A800] =	vst v63  }
0xac: {  	_ =	swait.ge [sflag:s19], $0x2000  }
0xad: {  	[sflag:s19] =	ssyncset.done $0x0  }
0xae: {  	[sflag:s19] =	ssyncadd.s32 $0xFFFFE000  }
0xaf: {  	_ =	swait.ge [sflag:s26], $0x2000  }
0xb0: {  	[sflag:s26] =	ssyncset.done $0x0  }
0xb1: {  	[sflag:s26] =	ssyncadd.s32 $0xFFFFE000  }
0xb2: {  	[spmem:s2] =	stream.indirect.scatter.add.f32 [tilespmem:s23], [sflag:$0x3], $0x40, s30, s21, $0xb8;
	[tilespmem:$0x1A800] =	vst v63  }
0xb3: {  	_ =	swait.ge [sflag:s19], $0x2000  }
0xb4: {  	[sflag:s19] =	ssyncset.done $0x0  }
0xb5: {  	s9 =	simm.s32 $0x0;
	[sflag:s19] =	ssyncadd.s32 $0xFFFFE000  }
0xb6: {  	[tilespmem:s9], [sflag:$0x3] =	stream.linear.gather [hbm4b:s13+s9], $0x1400, $0x38;
	[tilespmem:$0x1A800] =	vst v63  }
0xb7: {  	_ =	swait.ge [sflag:s19], $0x1400  }
0xb8: {  	[sflag:s19] =	ssyncset.done $0x0  }
0xb9: {  	[sflag:s19] =	ssyncadd.s32 $0xFFFFEC00  }
0xba: {  	[tilespmem:s20], [sflag:$0x3] =	stream.linear.gather [hbm4b:s14+s9], $0x1400, $0x38;
	[tilespmem:$0x1A800] =	vst v63  }
0xbb: {  	_ =	swait.ge [sflag:s19], $0x1400  }
0xbc: {  	[sflag:s19] =	ssyncset.done $0x0  }
0xbd: {  	[sflag:s19] =	ssyncadd.s32 $0xFFFFEC00  }
0xbe: {  	[tilespmem:s22], [sflag:$0x1] =	stream.indirect.gather [spmem:s1], $0x40, s9, s21, $0xb8;
	[tilespmem:$0x1A800] =	vst v63  }
0xbf: {  	s5 =	simm.s32 $0x80  }
0xc0: {  	[tilespmem:s23], [sflag:$0x2] =	stream.indirect.gather [spmem:s1], $0x40, s5, s21, $0xb8;
	[tilespmem:$0x1A800] =	vst v63  }
0xc1: {  	_ =	swait.ge [sflag:s25], $0x2000  }
0xc2: {  	[sflag:s25] =	ssyncset.done $0x0  }
0xc3: {  	s7 =	simm.s32 $0x1400;
	[sflag:s25] =	ssyncadd.s32 $0xFFFFE000  }
0xc4: {  	[spmem:s2] =	stream.indirect.scatter.add.f32 [tilespmem:s22], [sflag:$0x3], $0x40, s7, s21, $0xb8;
	[tilespmem:$0x1A800] =	vst v63  }
0xc5: {  	_ =	swait.ge [sflag:s19], $0x2000  }
0xc6: {  	[sflag:s19] =	ssyncset.done $0x0  }
0xc7: {  	s8 =	simm.s32 $0x100;
	[sflag:s19] =	ssyncadd.s32 $0xFFFFE000  }
0xc8: {  	[tilespmem:s22], [sflag:$0x1] =	stream.indirect.gather [spmem:s1], $0x40, s8, s21, $0xb8;
	[tilespmem:$0x1A800] =	vst v63  }
0xc9: {  	_ =	swait.ge [sflag:s26], $0x2000  }
0xca: {  	[sflag:s26] =	ssyncset.done $0x0  }
0xcb: {  	s9 =	simm.s32 $0x1480;
	[sflag:s26] =	ssyncadd.s32 $0xFFFFE000  }
0xcc: {  	[spmem:s2] =	stream.indirect.scatter.add.f32 [tilespmem:s23], [sflag:$0x3], $0x40, s9, s21, $0xb8;
	[tilespmem:$0x1A800] =	vst v63  }
0xcd: {  	_ =	swait.ge [sflag:s19], $0x2000  }
0xce: {  	s4 =	simm.s32 $0x100;
	s5 =	simm.s32 $0x800;
	[sflag:s19] =	ssyncset.done $0x0  }
.LBB2_6:
0xcf: {  	s7 =	sadd.s32 $0x80, s4  }
0xd0: {  	[sflag:s19] =	ssyncadd.s32 $0xFFFFE000;
	s8 =	smov.u32 s5;
	s9 =	sadd.s32 $0x400, s5  }
0xd1: {  	[tilespmem:s23], [sflag:$0x2] =	stream.indirect.gather [spmem:s1], $0x40, s7, s21, $0xb8;
	[tilespmem:$0x1A800] =	vst v63  }
0xd2: {  	p0 =	sne.s32 s5, $0x4800;
	_ =	swait.ge [sflag:s25], $0x2000  }
0xd3: {  	[sflag:s25] =	ssyncset.done $0x0  }
0xd4: {  	s5 =	sadd.s32 $0x1400, s4;
	[sflag:s25] =	ssyncadd.s32 $0xFFFFE000  }
0xd5: {  	[spmem:s2] =	stream.indirect.scatter.add.f32 [tilespmem:s22], [sflag:$0x3], $0x40, s5, s21, $0xb8;
	[tilespmem:$0x1A800] =	vst v63  }
0xd6: {  	_ =	swait.ge [sflag:s19], $0x2000  }
0xd7: {  	[sflag:s19] =	ssyncset.done $0x0  }
0xd8: {  	s5 =	sadd.s32 $0x100, s4;
	[sflag:s19] =	ssyncadd.s32 $0xFFFFE000  }
0xd9: {  	[tilespmem:s22], [sflag:$0x1] =	stream.indirect.gather [spmem:s1], $0x40, s5, s21, $0xb8;
	[tilespmem:$0x1A800] =	vst v63  }
0xda: {  	_ =	swait.ge [sflag:s26], $0x2000  }
.Ltmp2:
0xdb: {  	[sflag:s26] =	ssyncset.done $0x0;
	(pc) =	sbr.rel @p0 .LBB2_6-.Ltmp2, $4  }
0xdc: {  	s4 =	sadd.s32 $0x1480, s4;
	[sflag:s26] =	ssyncadd.s32 $0xFFFFE000  }
0xdd: {  	[spmem:s2] =	stream.indirect.scatter.add.f32 [tilespmem:s23], [sflag:$0x3], $0x40, s4, s21, $0xb8;
	[tilespmem:$0x1A800] =	vst v63  }
0xde: {  	_ =	swait.ge [sflag:s19], $0x2000  }
0xdf: {  	s5 =	smov.u32 s9;
	s4 =	sshra.s32 s8, $0x2;
	[sflag:s19] =	ssyncset.done $0x0  }
0xe0: {  	s5 =	sadd.s32 $0x80, s4;
	[sflag:s19] =	ssyncadd.s32 $0xFFFFE000  }
0xe1: {  	[tilespmem:s23], [sflag:$0x2] =	stream.indirect.gather [spmem:s1], $0x40, s5, s21, $0xb8;
	[tilespmem:$0x1A800] =	vst v63  }
0xe2: {  	_ =	swait.ge [sflag:s25], $0x2000  }
0xe3: {  	[sflag:s25] =	ssyncset.done $0x0  }
0xe4: {  	s9 =	sadd.s32 $0x1400, s4;
	[sflag:s25] =	ssyncadd.s32 $0xFFFFE000  }
0xe5: {  	[spmem:s2] =	stream.indirect.scatter.add.f32 [tilespmem:s22], [sflag:$0x3], $0x40, s9, s21, $0xb8;
	[tilespmem:$0x1A800] =	vst v63  }
0xe6: {  	_ =	swait.ge [sflag:s19], $0x2000  }
0xe7: {  	[sflag:s19] =	ssyncset.done $0x0  }
0xe8: {  	s7 =	sadd.s32 $0x100, s4;
	[sflag:s19] =	ssyncadd.s32 $0xFFFFE000  }
0xe9: {  	[tilespmem:s22], [sflag:$0x1] =	stream.indirect.gather [spmem:s1], $0x40, s7, s21, $0xb8;
	[tilespmem:$0x1A800] =	vst v63  }
0xea: {  	_ =	swait.ge [sflag:s26], $0x2000  }
0xeb: {  	[sflag:s26] =	ssyncset.done $0x0  }
0xec: {  	s8 =	sadd.s32 $0x1480, s4;
	[sflag:s26] =	ssyncadd.s32 $0xFFFFE000  }
0xed: {  	[spmem:s2] =	stream.indirect.scatter.add.f32 [tilespmem:s23], [sflag:$0x3], $0x40, s8, s21, $0xb8;
	[tilespmem:$0x1A800] =	vst v63  }
0xee: {  	_ =	swait.ge [sflag:s19], $0x2000  }
0xef: {  	[sflag:s19] =	ssyncset.done $0x0  }
0xf0: {  	[sflag:s19] =	ssyncadd.s32 $0xFFFFE000  }
0xf1: {  	[tilespmem:s23], [sflag:$0x2] =	stream.indirect.gather [spmem:s1], $0x40, s28, s21, $0xb8;
	[tilespmem:$0x1A800] =	vst v63  }
0xf2: {  	_ =	swait.ge [sflag:s25], $0x2000  }
0xf3: {  	[sflag:s25] =	ssyncset.done $0x0  }
0xf4: {  	[sflag:s25] =	ssyncadd.s32 $0xFFFFE000  }
0xf5: {  	[spmem:s2] =	stream.indirect.scatter.add.f32 [tilespmem:s22], [sflag:$0x3], $0x40, s29, s21, $0xb8;
	[tilespmem:$0x1A800] =	vst v63  }
0xf6: {  	_ =	swait.ge [sflag:s19], $0x2000  }
0xf7: {  	[sflag:s19] =	ssyncset.done $0x0  }
0xf8: {  	[sflag:s19] =	ssyncadd.s32 $0xFFFFE000  }
0xf9: {  	_ =	swait.ge [sflag:s26], $0x2000  }
0xfa: {  	[sflag:s26] =	ssyncset.done $0x0  }
0xfb: {  	[sflag:s26] =	ssyncadd.s32 $0xFFFFE000  }
0xfc: {  	[spmem:s2] =	stream.indirect.scatter.add.f32 [tilespmem:s23], [sflag:$0x3], $0x40, s30, s21, $0xb8;
	[tilespmem:$0x1A800] =	vst v63  }
0xfd: {  	_ =	swait.ge [sflag:s19], $0x2000  }
0xfe: {  	[sflag:s19] =	ssyncset.done $0x0  }
0xff: {  	s9 =	simm.s32 $0x0;
	[sflag:s19] =	ssyncadd.s32 $0xFFFFE000  }
0x100: {  	[tilespmem:s9], [sflag:$0x3] =	stream.linear.gather [hbm4b:s15+s9], $0x1400, $0x38;
	[tilespmem:$0x1A800] =	vst v63  }
0x101: {  	_ =	swait.ge [sflag:s19], $0x1400  }
0x102: {  	[sflag:s19] =	ssyncset.done $0x0  }
0x103: {  	[sflag:s19] =	ssyncadd.s32 $0xFFFFEC00  }
0x104: {  	[tilespmem:s20], [sflag:$0x3] =	stream.linear.gather [hbm4b:s16+s9], $0x1400, $0x38;
	[tilespmem:$0x1A800] =	vst v63  }
0x105: {  	_ =	swait.ge [sflag:s19], $0x1400  }
0x106: {  	[sflag:s19] =	ssyncset.done $0x0  }
0x107: {  	[sflag:s19] =	ssyncadd.s32 $0xFFFFEC00  }
0x108: {  	[tilespmem:s22], [sflag:$0x1] =	stream.indirect.gather [spmem:s1], $0x40, s9, s21, $0xb8;
	[tilespmem:$0x1A800] =	vst v63  }
0x109: {  	s5 =	simm.s32 $0x80  }
0x10a: {  	[tilespmem:s23], [sflag:$0x2] =	stream.indirect.gather [spmem:s1], $0x40, s5, s21, $0xb8;
	[tilespmem:$0x1A800] =	vst v63  }
0x10b: {  	_ =	swait.ge [sflag:s25], $0x2000  }
0x10c: {  	[sflag:s25] =	ssyncset.done $0x0  }
0x10d: {  	s7 =	simm.s32 $0x1400;
	[sflag:s25] =	ssyncadd.s32 $0xFFFFE000  }
0x10e: {  	[spmem:s2] =	stream.indirect.scatter.add.f32 [tilespmem:s22], [sflag:$0x3], $0x40, s7, s21, $0xb8;
	[tilespmem:$0x1A800] =	vst v63  }
0x10f: {  	_ =	swait.ge [sflag:s19], $0x2000  }
0x110: {  	[sflag:s19] =	ssyncset.done $0x0  }
0x111: {  	s8 =	simm.s32 $0x100;
	[sflag:s19] =	ssyncadd.s32 $0xFFFFE000  }
0x112: {  	[tilespmem:s22], [sflag:$0x1] =	stream.indirect.gather [spmem:s1], $0x40, s8, s21, $0xb8;
	[tilespmem:$0x1A800] =	vst v63  }
0x113: {  	_ =	swait.ge [sflag:s26], $0x2000  }
0x114: {  	[sflag:s26] =	ssyncset.done $0x0  }
0x115: {  	s9 =	simm.s32 $0x1480;
	[sflag:s26] =	ssyncadd.s32 $0xFFFFE000  }
0x116: {  	[spmem:s2] =	stream.indirect.scatter.add.f32 [tilespmem:s23], [sflag:$0x3], $0x40, s9, s21, $0xb8;
	[tilespmem:$0x1A800] =	vst v63  }
0x117: {  	_ =	swait.ge [sflag:s19], $0x2000  }
0x118: {  	s4 =	simm.s32 $0x100;
	s5 =	simm.s32 $0x800;
	[sflag:s19] =	ssyncset.done $0x0  }
.LBB2_8:
0x119: {  	s7 =	sadd.s32 $0x80, s4  }
0x11a: {  	[sflag:s19] =	ssyncadd.s32 $0xFFFFE000;
	s8 =	smov.u32 s5;
	s9 =	sadd.s32 $0x400, s5  }
0x11b: {  	[tilespmem:s23], [sflag:$0x2] =	stream.indirect.gather [spmem:s1], $0x40, s7, s21, $0xb8;
	[tilespmem:$0x1A800] =	vst v63  }
0x11c: {  	p0 =	sne.s32 s5, $0x4800;
	_ =	swait.ge [sflag:s25], $0x2000  }
0x11d: {  	[sflag:s25] =	ssyncset.done $0x0  }
0x11e: {  	s5 =	sadd.s32 $0x1400, s4;
	[sflag:s25] =	ssyncadd.s32 $0xFFFFE000  }
0x11f: {  	[spmem:s2] =	stream.indirect.scatter.add.f32 [tilespmem:s22], [sflag:$0x3], $0x40, s5, s21, $0xb8;
	[tilespmem:$0x1A800] =	vst v63  }
0x120: {  	_ =	swait.ge [sflag:s19], $0x2000  }
0x121: {  	[sflag:s19] =	ssyncset.done $0x0  }
0x122: {  	s5 =	sadd.s32 $0x100, s4;
	[sflag:s19] =	ssyncadd.s32 $0xFFFFE000  }
0x123: {  	[tilespmem:s22], [sflag:$0x1] =	stream.indirect.gather [spmem:s1], $0x40, s5, s21, $0xb8;
	[tilespmem:$0x1A800] =	vst v63  }
0x124: {  	_ =	swait.ge [sflag:s26], $0x2000  }
.Ltmp3:
0x125: {  	[sflag:s26] =	ssyncset.done $0x0;
	(pc) =	sbr.rel @p0 .LBB2_8-.Ltmp3, $4  }
0x126: {  	s4 =	sadd.s32 $0x1480, s4;
	[sflag:s26] =	ssyncadd.s32 $0xFFFFE000  }
0x127: {  	[spmem:s2] =	stream.indirect.scatter.add.f32 [tilespmem:s23], [sflag:$0x3], $0x40, s4, s21, $0xb8;
	[tilespmem:$0x1A800] =	vst v63  }
0x128: {  	_ =	swait.ge [sflag:s19], $0x2000  }
0x129: {  	s5 =	smov.u32 s9;
	s4 =	sshra.s32 s8, $0x2;
	[sflag:s19] =	ssyncset.done $0x0  }
0x12a: {  	s5 =	sadd.s32 $0x80, s4;
	[sflag:s19] =	ssyncadd.s32 $0xFFFFE000  }
0x12b: {  	[tilespmem:s23], [sflag:$0x2] =	stream.indirect.gather [spmem:s1], $0x40, s5, s21, $0xb8;
	[tilespmem:$0x1A800] =	vst v63  }
0x12c: {  	_ =	swait.ge [sflag:s25], $0x2000  }
0x12d: {  	[sflag:s25] =	ssyncset.done $0x0  }
0x12e: {  	s7 =	sadd.s32 $0x1400, s4;
	[sflag:s25] =	ssyncadd.s32 $0xFFFFE000  }
0x12f: {  	[spmem:s2] =	stream.indirect.scatter.add.f32 [tilespmem:s22], [sflag:$0x3], $0x40, s7, s21, $0xb8;
	[tilespmem:$0x1A800] =	vst v63  }
0x130: {  	_ =	swait.ge [sflag:s19], $0x2000  }
0x131: {  	[sflag:s19] =	ssyncset.done $0x0  }
0x132: {  	s8 =	sadd.s32 $0x100, s4;
	[sflag:s19] =	ssyncadd.s32 $0xFFFFE000  }
0x133: {  	[tilespmem:s22], [sflag:$0x1] =	stream.indirect.gather [spmem:s1], $0x40, s8, s21, $0xb8;
	[tilespmem:$0x1A800] =	vst v63  }
0x134: {  	_ =	swait.ge [sflag:s26], $0x2000  }
0x135: {  	[sflag:s26] =	ssyncset.done $0x0  }
0x136: {  	s9 =	sadd.s32 $0x1480, s4;
	[sflag:s26] =	ssyncadd.s32 $0xFFFFE000  }
0x137: {  	[spmem:s2] =	stream.indirect.scatter.add.f32 [tilespmem:s23], [sflag:$0x3], $0x40, s9, s21, $0xb8;
	[tilespmem:$0x1A800] =	vst v63  }
0x138: {  	_ =	swait.ge [sflag:s19], $0x2000  }
0x139: {  	[sflag:s19] =	ssyncset.done $0x0  }
0x13a: {  	[sflag:s19] =	ssyncadd.s32 $0xFFFFE000  }
0x13b: {  	[tilespmem:s23], [sflag:$0x2] =	stream.indirect.gather [spmem:s1], $0x40, s28, s21, $0xb8;
	[tilespmem:$0x1A800] =	vst v63  }
0x13c: {  	_ =	swait.ge [sflag:s25], $0x2000  }
0x13d: {  	[sflag:s25] =	ssyncset.done $0x0  }
0x13e: {  	[sflag:s25] =	ssyncadd.s32 $0xFFFFE000  }
0x13f: {  	[spmem:s2] =	stream.indirect.scatter.add.f32 [tilespmem:s22], [sflag:$0x3], $0x40, s29, s21, $0xb8;
	[tilespmem:$0x1A800] =	vst v63  }
0x140: {  	_ =	swait.ge [sflag:s19], $0x2000  }
0x141: {  	[sflag:s19] =	ssyncset.done $0x0  }
0x142: {  	[sflag:s19] =	ssyncadd.s32 $0xFFFFE000  }
0x143: {  	_ =	swait.ge [sflag:s26], $0x2000  }
0x144: {  	[sflag:s26] =	ssyncset.done $0x0  }
0x145: {  	[sflag:s26] =	ssyncadd.s32 $0xFFFFE000  }
0x146: {  	[spmem:s2] =	stream.indirect.scatter.add.f32 [tilespmem:s23], [sflag:$0x3], $0x40, s30, s21, $0xb8;
	[tilespmem:$0x1A800] =	vst v63  }
0x147: {  	_ =	swait.ge [sflag:s19], $0x2000  }
0x148: {  	s31 =	sadd.s32 $0x1, s31;
	[sflag:s19] =	ssyncset.done $0x0  }
0x149: {  	p0 =	sne.s32 s31, s17;
	[sflag:s19] =	ssyncadd.s32 $0xFFFFE000  }
.Ltmp4:
0x14a: {  	[bflag:$0x0] =	sbarrier.arrive $0xFFFF;
	(pc) =	sbr.rel @p0 .LBB2_1-.Ltmp4, $4  }
0x14b: {  	[hbm:s24], [sflag:s6] =	dma.local [spmem:s0], $0x1400  }
0x14c: {  	_ =	swait.ge [sflag:s19], $0x1400  }
0x14d: {  	[sflag:s19] =	ssyncset.done $0x0  }
0x14e: {  	[sflag:s19] =	ssyncadd.s32 $0xFFFFEC00  }
0x14f: {  	_ =	sfence.sel $0x180000  }
0x150: {  	[bflag:$0x0] =	sbarrier.arrive $0xFFFF  }
0x151: {  	_ =	strace $0x9000004A  }
0x152: {  	s0 =	stileid.u32;
	[bflag:$0x2] =	sbarrier.arrive $0xFFFF  }
0x153: {  	p0 =	sne.s32 s0, $0x0;
	s0 =	rddreg [dreg:$0x4]  }
0x154: {  	s0 =	sadd.s32 @!p0 $0x100000, s0  }
0x155: {  	[sflag:s0] =	ssyncadd.tile.s32 @!p0 $0x1;
	_ =	shalt  }
.Lfunc_end2:
_tile_overlayer_lowered:
.L_overlay_start_2:
0x156: {  	(tag) =	ssettag $0x2  }
0x157: {  	s0 =	rddreg [dreg:$0x0];
	s2 =	stileid.u32  }
0x158: {  	s1 =	rddreg [dreg:$0x1];
	p0 =	sne.s32 s2, $0x0  }
0x159: {  	s3 =	rddreg [dreg:$0x2];
	[bflag:$0x3] =	sbarrier.arrive $0xFFFF;
	s2 =	simm.s32 @!p0 $0x1C03  }
0x15a: {  	[timem:s3], [sflag:s2] =	dma.local @!p0 [hbm:s0], s1  }
0x15b: {  	s0 =	simm.s32 @!p0 $0x3  }
0x15c: {  	_ =	swait.ge @!p0 [sflag:s0], s1  }
0x15d: {  	s1 =	ssub.s32 @!p0 $0x0, s1;
	[sflag:s0] =	ssyncset.done @!p0 $0x0  }
0x15e: {  	[sflag:s0] =	ssyncadd.s32 @!p0 s1  }
0x15f: {  	[bflag:$0x3] =	sbarrier.arrive $0xFFFF  }
0x160: {  	_ =	shalt  }

</sc_bundles>
